<compile_context>
chip_gen: v7x
topology: tpu7x:2x2x1
jax: 0.10.2.dev20260603
libtpu: 0.0.44.dev20260713+nightly
codegen_flags: <defaults>
</compile_context>

<pallas_src>
import functools

import jax
import jax.numpy as jnp
from jax import lax
from jax.experimental import pallas as pl
from jax.experimental.pallas import tpu as pltpu
from jax.experimental.pallas import tpu_sc as plsc

NUM_CORES = 2
NUM_SUBCORES = 16
NUM_WORKERS = NUM_CORES * NUM_SUBCORES
LANES = 16


def kernel(node_ids, node_tids, table):
    del node_tids
    B = node_ids.shape[0]
    D = table.shape[1]
    b_per_w = B // NUM_WORKERS
    mesh = plsc.VectorSubcoreMesh(core_axis_name="c", subcore_axis_name="s")

    @functools.partial(
        pl.kernel,
        mesh=mesh,
        out_type=jax.ShapeDtypeStruct((B * D,), table.dtype),
        scratch_types=[
            pltpu.VMEM((b_per_w,), jnp.int32),
            pltpu.VMEM((b_per_w, D), table.dtype),
            pltpu.VMEM((b_per_w * D,), table.dtype),
            pltpu.SemaphoreType.DMA,
        ],
        compiler_params=pltpu.CompilerParams(use_tc_tiling_on_sc=False),
    )
    def gather_kernel(table_hbm, idx_hbm, out_hbm, idx_v, rows_v, flat_v,
                      sem):
        wid = lax.axis_index("s") * NUM_CORES + lax.axis_index("c")
        base = wid * b_per_w
        pltpu.sync_copy(idx_hbm.at[pl.ds(base, b_per_w)], idx_v)
        pltpu.async_copy(table_hbm.at[idx_v], rows_v, sem).wait()

        def copy_rows(c, carry):
            for r in range(LANES):
                i = c * LANES + r
                for d0 in range(D // LANES):
                    flat_v[pl.ds(i * D + d0 * LANES, LANES)] = (
                        rows_v[i, pl.ds(d0 * LANES, LANES)]
                    )
            return carry

        lax.fori_loop(0, b_per_w // LANES, copy_rows, 0)
        pltpu.sync_copy(flat_v, out_hbm.at[pl.ds(base * D, b_per_w * D)])

    return gather_kernel(table, node_ids).reshape(B, D)

# --- scband reference (transcript-rebuilt; emitter-appended) ---
"""Pipeline reference for scband-dist-embed-layer-25847113187799 (READ-ONLY COPY).

The authoritative reference and input builder live on the scoring server;
editing this copy changes nothing except your own understanding.
"""

import jax, jax.numpy as jnp
import numpy as np

NUM_NODES = 1000000
EMBED_SIZE = 64
NUM_NTYPE = 4
BATCH = 16384


def setup_inputs(seed: int = 0) -> dict:
    key = jax.random.key(seed)
    k1, k2, k3 = jax.random.split(key, 3)
    # Learned embedding table, init uniform(-1, 1) per init_emb / nn.init.uniform_
    table = jax.random.uniform(k1, (NUM_NODES, EMBED_SIZE), minval=-1.0, maxval=1.0, dtype=jnp.float32)
    node_ids = jax.random.randint(k2, (BATCH,), 0, NUM_NODES, dtype=jnp.int32)
    node_tids = jax.random.randint(k3, (BATCH,), 0, NUM_NTYPE, dtype=jnp.int32)
    return {"node_ids": node_ids, "node_tids": node_tids, "table": table}


def reference(node_ids, node_tids, table):
    # Faithful translation of DistEmbedLayer.forward with features[ntype] is None
    # for all ntypes (the only supported path). The torch code allocates an empty
    # buffer and fills rows per node type via boolean masking; here we replicate
    # that with a gather + per-type masked overwrite.
    embeds = jnp.zeros((node_ids.shape[0], table.shape[1]), dtype=table.dtype)
    gathered = jnp.take(table, node_ids, axis=0)  # embedding lookup (SparseCore gather)
    for ntype in range(NUM_NTYPE):
        loc = node_tids == ntype
        embeds = jnp.where(loc[:, None], gathered, embeds)
    return embeds

if __name__ == "__main__":
    import jax
    _d = setup_inputs()
    print(jax.jit(kernel)(*tuple(_d.values())))

</pallas_src>

<mosaic_0001>
#map = affine_map<(d0, d1) -> (0, 0)>
#map1 = affine_map<(d0, d1) -> (0)>
module attributes {stable_mosaic.version = 14 : i64} {
  func.func @gather_kernel(%arg0: i32, %arg1: i32, %arg2: memref<1000000x64xf32, #tpu.memory_space<hbm>>, %arg3: memref<16384xi32, #tpu.memory_space<hbm>>, %arg4: memref<1048576xf32, #tpu.memory_space<hbm>>, %arg5: memref<512xi32, #tpu.memory_space<vmem>>, %arg6: memref<512x64xf32, #tpu.memory_space<vmem>>, %arg7: memref<32768xf32, #tpu.memory_space<vmem>>, %arg8: memref<!tpu.dma_semaphore, #tpu.memory_space<semaphore_mem>>) attributes {dimension_semantics = [#tpu.dimension_semantics<core_parallel>, #tpu.dimension_semantics<subcore_parallel>], iteration_bounds = array<i64: 2, 16>, scalar_prefetch = 0 : i64, scratch_operands = 4 : i64, tpu.core_type = #tpu.core_type<sc_vector_subcore>, window_params = [{transform_indices = #map}, {transform_indices = #map1}, {transform_indices = #map1}]} {
    %mul3A = arith.constant 2 : i32
    %mul3A_0 = arith.muli %arg1, %mul3A : i32
    %add3A = arith.addi %mul3A_0, %arg0 : i32
    %mul3A_1 = arith.constant 512 : i32
    %mul3A_2 = arith.muli %add3A, %mul3A_1 : i32
    "tpu.region"() ({
      %run_scoped3A = tpu.sem_alloc : memref<!tpu.dma_semaphore, #tpu.memory_space<semaphore_mem>>
      %dma_start3A_14 = tpu.memref_slice %arg3[%mul3A_2] : memref<16384xi32, #tpu.memory_space<hbm>> -> memref<512xi32, #tpu.memory_space<hbm>>
      %dma_start3A_15 = tpu.memref_slice %arg3[%mul3A_2] : memref<16384xi32, #tpu.memory_space<hbm>> -> memref<512xi32, #tpu.memory_space<hbm>>
      tpu.enqueue_dma source(%dma_start3A_15 : memref<512xi32, #tpu.memory_space<hbm>>) target(%arg5 : memref<512xi32, #tpu.memory_space<vmem>>) target_semaphore(%run_scoped3A : memref<!tpu.dma_semaphore, #tpu.memory_space<semaphore_mem>>)
      %dma_wait3A_16 = tpu.memref_slice %arg3[%mul3A_2] : memref<16384xi32, #tpu.memory_space<hbm>> -> memref<512xi32, #tpu.memory_space<hbm>>
      %dma_wait3A_17 = tpu.memref_slice %arg3[%mul3A_2] : memref<16384xi32, #tpu.memory_space<hbm>> -> memref<512xi32, #tpu.memory_space<hbm>>
      tpu.wait_dma2 semaphore(%run_scoped3A : memref<!tpu.dma_semaphore, #tpu.memory_space<semaphore_mem>>) src(%dma_wait3A_17 : memref<512xi32, #tpu.memory_space<hbm>>) dst(%arg5 : memref<512xi32, #tpu.memory_space<vmem>>)
      tpu.yield
    }) : () -> ()
    %dma_start3A = arith.constant 0 : i32
    %dma_start3A_3 = arith.constant 0 : i32
    %dma_start3A_4 = tpu.memref_slice %arg2[%dma_start3A, %dma_start3A_3] : memref<1000000x64xf32, #tpu.memory_space<hbm>> -> memref<1000000x64xf32, #tpu.memory_space<hbm>>
    tpu.enqueue_indirect_dma source(%dma_start3A_4 : memref<1000000x64xf32, #tpu.memory_space<hbm>>) target(%arg6 : memref<512x64xf32, #tpu.memory_space<vmem>>) offsets(%arg5 : memref<512xi32, #tpu.memory_space<vmem>>) semaphore(%arg8 : memref<!tpu.dma_semaphore, #tpu.memory_space<semaphore_mem>>)
    %dma_wait3A = arith.constant 0 : i32
    %dma_wait3A_5 = arith.constant 0 : i32
    %dma_wait3A_6 = tpu.memref_slice %arg2[%dma_wait3A, %dma_wait3A_5] : memref<1000000x64xf32, #tpu.memory_space<hbm>> -> memref<1000000x64xf32, #tpu.memory_space<hbm>>
    tpu.wait_indirect_dma semaphore(%arg8 : memref<!tpu.dma_semaphore, #tpu.memory_space<semaphore_mem>>) src(%dma_wait3A_6 : memref<1000000x64xf32, #tpu.memory_space<hbm>>) dst(%arg6 : memref<512x64xf32, #tpu.memory_space<vmem>>)
    %scan3A = arith.constant 0 : i32
    %scan3A_7 = arith.constant 0 : i32
    %scan3A_8 = arith.constant 32 : i32
    %scan3A_9 = arith.addi %scan3A_7, %scan3A_8 : i32
    %scan3A_10 = arith.constant 1 : i32
    scf.for %scan3A_14 = %scan3A_7 to %scan3A_9 step %scan3A_10  : i32 {
      %mul3A_15 = arith.constant 16 : i32
      %mul3A_16 = arith.muli %scan3A_14, %mul3A_15 : i32
      %add3A_17 = arith.constant 0 : i32
      %add3A_18 = arith.addi %mul3A_16, %add3A_17 : i32
      %get3A = arith.index_cast %add3A_18 : i32 to index
      %get3A_19 = arith.constant 0 : index
      %get3A_20 = tpu.vector_load %arg6[%get3A, %get3A_19] {strides = array<i32>} : memref<512x64xf32, #tpu.memory_space<vmem>>, vector<1x16xf32>,
      %get3A_21 = vector.shape_cast %get3A_20 : vector<1x16xf32> to vector<16xf32>
      %mul3A_22 = arith.constant 64 : i32
      %mul3A_23 = arith.muli %add3A_18, %mul3A_22 : i32
      %add3A_24 = arith.constant 0 : i32
      %add3A_25 = arith.addi %mul3A_23, %add3A_24 : i32
      %swap3A = arith.index_cast %add3A_25 : i32 to index
      %swap3A_26 = tpu.vector_load %arg7[%swap3A] {strides = array<i32>} : memref<32768xf32, #tpu.memory_space<vmem>>, vector<16xf32>,
      %swap3A_27 = vector.shape_cast %swap3A_26 : vector<16xf32> to vector<16xf32>
      %swap3A_28 = vector.shape_cast %get3A_21 : vector<16xf32> to vector<16xf32>
      tpu.vector_store %arg7[%swap3A], %swap3A_28 {strides = array<i32>} : memref<32768xf32, #tpu.memory_space<vmem>>, vector<16xf32>,
      %get3A_29 = arith.index_cast %add3A_18 : i32 to index
      %get3A_30 = arith.constant 16 : index
      %get3A_31 = tpu.vector_load %arg6[%get3A_29, %get3A_30] {strides = array<i32>} : memref<512x64xf32, #tpu.memory_space<vmem>>, vector<1x16xf32>,
      %get3A_32 = vector.shape_cast %get3A_31 : vector<1x16xf32> to vector<16xf32>
      %mul3A_33 = arith.constant 64 : i32
      %mul3A_34 = arith.muli %add3A_18, %mul3A_33 : i32
      %add3A_35 = arith.constant 16 : i32
      %add3A_36 = arith.addi %mul3A_34, %add3A_35 : i32
      %swap3A_37 = arith.index_cast %add3A_36 : i32 to index
      %swap3A_38 = tpu.vector_load %arg7[%swap3A_37] {strides = array<i32>} : memref<32768xf32, #tpu.memory_space<vmem>>, vector<16xf32>,
      %swap3A_39 = vector.shape_cast %swap3A_38 : vector<16xf32> to vector<16xf32>
      %swap3A_40 = vector.shape_cast %get3A_32 : vector<16xf32> to vector<16xf32>
      tpu.vector_store %arg7[%swap3A_37], %swap3A_40 {strides = array<i32>} : memref<32768xf32, #tpu.memory_space<vmem>>, vector<16xf32>,
      %get3A_41 = arith.index_cast %add3A_18 : i32 to index
      %get3A_42 = arith.constant 32 : index
      %get3A_43 = tpu.vector_load %arg6[%get3A_41, %get3A_42] {strides = array<i32>} : memref<512x64xf32, #tpu.memory_space<vmem>>, vector<1x16xf32>,
      %get3A_44 = vector.shape_cast %get3A_43 : vector<1x16xf32> to vector<16xf32>
      %mul3A_45 = arith.constant 64 : i32
      %mul3A_46 = arith.muli %add3A_18, %mul3A_45 : i32
      %add3A_47 = arith.constant 32 : i32
      %add3A_48 = arith.addi %mul3A_46, %add3A_47 : i32
      %swap3A_49 = arith.index_cast %add3A_48 : i32 to index
      %swap3A_50 = tpu.vector_load %arg7[%swap3A_49] {strides = array<i32>} : memref<32768xf32, #tpu.memory_space<vmem>>, vector<16xf32>,
      %swap3A_51 = vector.shape_cast %swap3A_50 : vector<16xf32> to vector<16xf32>
      %swap3A_52 = vector.shape_cast %get3A_44 : vector<16xf32> to vector<16xf32>
      tpu.vector_store %arg7[%swap3A_49], %swap3A_52 {strides = array<i32>} : memref<32768xf32, #tpu.memory_space<vmem>>, vector<16xf32>,
      %get3A_53 = arith.index_cast %add3A_18 : i32 to index
      %get3A_54 = arith.constant 48 : index
      %get3A_55 = tpu.vector_load %arg6[%get3A_53, %get3A_54] {strides = array<i32>} : memref<512x64xf32, #tpu.memory_space<vmem>>, vector<1x16xf32>,
      %get3A_56 = vector.shape_cast %get3A_55 : vector<1x16xf32> to vector<16xf32>
      %mul3A_57 = arith.constant 64 : i32
      %mul3A_58 = arith.muli %add3A_18, %mul3A_57 : i32
      %add3A_59 = arith.constant 48 : i32
      %add3A_60 = arith.addi %mul3A_58, %add3A_59 : i32
      %swap3A_61 = arith.index_cast %add3A_60 : i32 to index
      %swap3A_62 = tpu.vector_load %arg7[%swap3A_61] {strides = array<i32>} : memref<32768xf32, #tpu.memory_space<vmem>>, vector<16xf32>,
      %swap3A_63 = vector.shape_cast %swap3A_62 : vector<16xf32> to vector<16xf32>
      %swap3A_64 = vector.shape_cast %get3A_56 : vector<16xf32> to vector<16xf32>
      tpu.vector_store %arg7[%swap3A_61], %swap3A_64 {strides = array<i32>} : memref<32768xf32, #tpu.memory_space<vmem>>, vector<16xf32>,
      %mul3A_65 = arith.constant 16 : i32
      %mul3A_66 = arith.muli %scan3A_14, %mul3A_65 : i32
      %add3A_67 = arith.constant 1 : i32
      %add3A_68 = arith.addi %mul3A_66, %add3A_67 : i32
      %get3A_69 = arith.index_cast %add3A_68 : i32 to index
      %get3A_70 = arith.constant 0 : index
      %get3A_71 = tpu.vector_load %arg6[%get3A_69, %get3A_70] {strides = array<i32>} : memref<512x64xf32, #tpu.memory_space<vmem>>, vector<1x16xf32>,
      %get3A_72 = vector.shape_cast %get3A_71 : vector<1x16xf32> to vector<16xf32>
      %mul3A_73 = arith.constant 64 : i32
      %mul3A_74 = arith.muli %add3A_68, %mul3A_73 : i32
      %add3A_75 = arith.constant 0 : i32
      %add3A_76 = arith.addi %mul3A_74, %add3A_75 : i32
      %swap3A_77 = arith.index_cast %add3A_76 : i32 to index
      %swap3A_78 = tpu.vector_load %arg7[%swap3A_77] {strides = array<i32>} : memref<32768xf32, #tpu.memory_space<vmem>>, vector<16xf32>,
      %swap3A_79 = vector.shape_cast %swap3A_78 : vector<16xf32> to vector<16xf32>
      %swap3A_80 = vector.shape_cast %get3A_72 : vector<16xf32> to vector<16xf32>
      tpu.vector_store %arg7[%swap3A_77], %swap3A_80 {strides = array<i32>} : memref<32768xf32, #tpu.memory_space<vmem>>, vector<16xf32>,
      %get3A_81 = arith.index_cast %add3A_68 : i32 to index
      %get3A_82 = arith.constant 16 : index
      %get3A_83 = tpu.vector_load %arg6[%get3A_81, %get3A_82] {strides = array<i32>} : memref<512x64xf32, #tpu.memory_space<vmem>>, vector<1x16xf32>,
      %get3A_84 = vector.shape_cast %get3A_83 : vector<1x16xf32> to vector<16xf32>
      %mul3A_85 = arith.constant 64 : i32
      %mul3A_86 = arith.muli %add3A_68, %mul3A_85 : i32
      %add3A_87 = arith.constant 16 : i32
      %add3A_88 = arith.addi %mul3A_86, %add3A_87 : i32
      %swap3A_89 = arith.index_cast %add3A_88 : i32 to index
      %swap3A_90 = tpu.vector_load %arg7[%swap3A_89] {strides = array<i32>} : memref<32768xf32, #tpu.memory_space<vmem>>, vector<16xf32>,
      %swap3A_91 = vector.shape_cast %swap3A_90 : vector<16xf32> to vector<16xf32>
      %swap3A_92 = vector.shape_cast %get3A_84 : vector<16xf32> to vector<16xf32>
      tpu.vector_store %arg7[%swap3A_89], %swap3A_92 {strides = array<i32>} : memref<32768xf32, #tpu.memory_space<vmem>>, vector<16xf32>,
      %get3A_93 = arith.index_cast %add3A_68 : i32 to index
      %get3A_94 = arith.constant 32 : index
      %get3A_95 = tpu.vector_load %arg6[%get3A_93, %get3A_94] {strides = array<i32>} : memref<512x64xf32, #tpu.memory_space<vmem>>, vector<1x16xf32>,
      %get3A_96 = vector.shape_cast %get3A_95 : vector<1x16xf32> to vector<16xf32>
      %mul3A_97 = arith.constant 64 : i32
      %mul3A_98 = arith.muli %add3A_68, %mul3A_97 : i32
      %add3A_99 = arith.constant 32 : i32
      %add3A_100 = arith.addi %mul3A_98, %add3A_99 : i32
      %swap3A_101 = arith.index_cast %add3A_100 : i32 to index
      %swap3A_102 = tpu.vector_load %arg7[%swap3A_101] {strides = array<i32>} : memref<32768xf32, #tpu.memory_space<vmem>>, vector<16xf32>,
      %swap3A_103 = vector.shape_cast %swap3A_102 : vector<16xf32> to vector<16xf32>
      %swap3A_104 = vector.shape_cast %get3A_96 : vector<16xf32> to vector<16xf32>
      tpu.vector_store %arg7[%swap3A_101], %swap3A_104 {strides = array<i32>} : memref<32768xf32, #tpu.memory_space<vmem>>, vector<16xf32>,
      %get3A_105 = arith.index_cast %add3A_68 : i32 to index
      %get3A_106 = arith.constant 48 : index
      %get3A_107 = tpu.vector_load %arg6[%get3A_105, %get3A_106] {strides = array<i32>} : memref<512x64xf32, #tpu.memory_space<vmem>>, vector<1x16xf32>,
      %get3A_108 = vector.shape_cast %get3A_107 : vector<1x16xf32> to vector<16xf32>
      %mul3A_109 = arith.constant 64 : i32
      %mul3A_110 = arith.muli %add3A_68, %mul3A_109 : i32
      %add3A_111 = arith.constant 48 : i32
      %add3A_112 = arith.addi %mul3A_110, %add3A_111 : i32
      %swap3A_113 = arith.index_cast %add3A_112 : i32 to index
      %swap3A_114 = tpu.vector_load %arg7[%swap3A_113] {strides = array<i32>} : memref<32768xf32, #tpu.memory_space<vmem>>, vector<16xf32>,
      %swap3A_115 = vector.shape_cast %swap3A_114 : vector<16xf32> to vector<16xf32>
      %swap3A_116 = vector.shape_cast %get3A_108 : vector<16xf32> to vector<16xf32>
      tpu.vector_store %arg7[%swap3A_113], %swap3A_116 {strides = array<i32>} : memref<32768xf32, #tpu.memory_space<vmem>>, vector<16xf32>,
      %mul3A_117 = arith.constant 16 : i32
      %mul3A_118 = arith.muli %scan3A_14, %mul3A_117 : i32
      %add3A_119 = arith.constant 2 : i32
      %add3A_120 = arith.addi %mul3A_118, %add3A_119 : i32
      %get3A_121 = arith.index_cast %add3A_120 : i32 to index
      %get3A_122 = arith.constant 0 : index
      %get3A_123 = tpu.vector_load %arg6[%get3A_121, %get3A_122] {strides = array<i32>} : memref<512x64xf32, #tpu.memory_space<vmem>>, vector<1x16xf32>,
      %get3A_124 = vector.shape_cast %get3A_123 : vector<1x16xf32> to vector<16xf32>
      %mul3A_125 = arith.constant 64 : i32
      %mul3A_126 = arith.muli %add3A_120, %mul3A_125 : i32
      %add3A_127 = arith.constant 0 : i32
      %add3A_128 = arith.addi %mul3A_126, %add3A_127 : i32
      %swap3A_129 = arith.index_cast %add3A_128 : i32 to index
      %swap3A_130 = tpu.vector_load %arg7[%swap3A_129] {strides = array<i32>} : memref<32768xf32, #tpu.memory_space<vmem>>, vector<16xf32>,
      %swap3A_131 = vector.shape_cast %swap3A_130 : vector<16xf32> to vector<16xf32>
      %swap3A_132 = vector.shape_cast %get3A_124 : vector<16xf32> to vector<16xf32>
      tpu.vector_store %arg7[%swap3A_129], %swap3A_132 {strides = array<i32>} : memref<32768xf32, #tpu.memory_space<vmem>>, vector<16xf32>,
      %get3A_133 = arith.index_cast %add3A_120 : i32 to index
      %get3A_134 = arith.constant 16 : index
      %get3A_135 = tpu.vector_load %arg6[%get3A_133, %get3A_134] {strides = array<i32>} : memref<512x64xf32, #tpu.memory_space<vmem>>, vector<1x16xf32>,
      %get3A_136 = vector.shape_cast %get3A_135 : vector<1x16xf32> to vector<16xf32>
      %mul3A_137 = arith.constant 64 : i32
      %mul3A_138 = arith.muli %add3A_120, %mul3A_137 : i32
      %add3A_139 = arith.constant 16 : i32
      %add3A_140 = arith.addi %mul3A_138, %add3A_139 : i32
      %swap3A_141 = arith.index_cast %add3A_140 : i32 to index
      %swap3A_142 = tpu.vector_load %arg7[%swap3A_141] {strides = array<i32>} : memref<32768xf32, #tpu.memory_space<vmem>>, vector<16xf32>,
      %swap3A_143 = vector.shape_cast %swap3A_142 : vector<16xf32> to vector<16xf32>
      %swap3A_144 = vector.shape_cast %get3A_136 : vector<16xf32> to vector<16xf32>
      tpu.vector_store %arg7[%swap3A_141], %swap3A_144 {strides = array<i32>} : memref<32768xf32, #tpu.memory_space<vmem>>, vector<16xf32>,
      %get3A_145 = arith.index_cast %add3A_120 : i32 to index
      %get3A_146 = arith.constant 32 : index
      %get3A_147 = tpu.vector_load %arg6[%get3A_145, %get3A_146] {strides = array<i32>} : memref<512x64xf32, #tpu.memory_space<vmem>>, vector<1x16xf32>,
      %get3A_148 = vector.shape_cast %get3A_147 : vector<1x16xf32> to vector<16xf32>
      %mul3A_149 = arith.constant 64 : i32
      %mul3A_150 = arith.muli %add3A_120, %mul3A_149 : i32
      %add3A_151 = arith.constant 32 : i32
      %add3A_152 = arith.addi %mul3A_150, %add3A_151 : i32
      %swap3A_153 = arith.index_cast %add3A_152 : i32 to index
      %swap3A_154 = tpu.vector_load %arg7[%swap3A_153] {strides = array<i32>} : memref<32768xf32, #tpu.memory_space<vmem>>, vector<16xf32>,
      %swap3A_155 = vector.shape_cast %swap3A_154 : vector<16xf32> to vector<16xf32>
      %swap3A_156 = vector.shape_cast %get3A_148 : vector<16xf32> to vector<16xf32>
      tpu.vector_store %arg7[%swap3A_153], %swap3A_156 {strides = array<i32>} : memref<32768xf32, #tpu.memory_space<vmem>>, vector<16xf32>,
      %get3A_157 = arith.index_cast %add3A_120 : i32 to index
      %get3A_158 = arith.constant 48 : index
      %get3A_159 = tpu.vector_load %arg6[%get3A_157, %get3A_158] {strides = array<i32>} : memref<512x64xf32, #tpu.memory_space<vmem>>, vector<1x16xf32>,
      %get3A_160 = vector.shape_cast %get3A_159 : vector<1x16xf32> to vector<16xf32>
      %mul3A_161 = arith.constant 64 : i32
      %mul3A_162 = arith.muli %add3A_120, %mul3A_161 : i32
      %add3A_163 = arith.constant 48 : i32
      %add3A_164 = arith.addi %mul3A_162, %add3A_163 : i32
      %swap3A_165 = arith.index_cast %add3A_164 : i32 to index
      %swap3A_166 = tpu.vector_load %arg7[%swap3A_165] {strides = array<i32>} : memref<32768xf32, #tpu.memory_space<vmem>>, vector<16xf32>,
      %swap3A_167 = vector.shape_cast %swap3A_166 : vector<16xf32> to vector<16xf32>
      %swap3A_168 = vector.shape_cast %get3A_160 : vector<16xf32> to vector<16xf32>
      tpu.vector_store %arg7[%swap3A_165], %swap3A_168 {strides = array<i32>} : memref<32768xf32, #tpu.memory_space<vmem>>, vector<16xf32>,
      %mul3A_169 = arith.constant 16 : i32
      %mul3A_170 = arith.muli %scan3A_14, %mul3A_169 : i32
      %add3A_171 = arith.constant 3 : i32
      %add3A_172 = arith.addi %mul3A_170, %add3A_171 : i32
      %get3A_173 = arith.index_cast %add3A_172 : i32 to index
      %get3A_174 = arith.constant 0 : index
      %get3A_175 = tpu.vector_load %arg6[%get3A_173, %get3A_174] {strides = array<i32>} : memref<512x64xf32, #tpu.memory_space<vmem>>, vector<1x16xf32>,
      %get3A_176 = vector.shape_cast %get3A_175 : vector<1x16xf32> to vector<16xf32>
      %mul3A_177 = arith.constant 64 : i32
      %mul3A_178 = arith.muli %add3A_172, %mul3A_177 : i32
      %add3A_179 = arith.constant 0 : i32
      %add3A_180 = arith.addi %mul3A_178, %add3A_179 : i32
      %swap3A_181 = arith.index_cast %add3A_180 : i32 to index
      %swap3A_182 = tpu.vector_load %arg7[%swap3A_181] {strides = array<i32>} : memref<32768xf32, #tpu.memory_space<vmem>>, vector<16xf32>,
      %swap3A_183 = vector.shape_cast %swap3A_182 : vector<16xf32> to vector<16xf32>
      %swap3A_184 = vector.shape_cast %get3A_176 : vector<16xf32> to vector<16xf32>
      tpu.vector_store %arg7[%swap3A_181], %swap3A_184 {strides = array<i32>} : memref<32768xf32, #tpu.memory_space<vmem>>, vector<16xf32>,
      %get3A_185 = arith.index_cast %add3A_172 : i32 to index
      %get3A_186 = arith.constant 16 : index
      %get3A_187 = tpu.vector_load %arg6[%get3A_185, %get3A_186] {strides = array<i32>} : memref<512x64xf32, #tpu.memory_space<vmem>>, vector<1x16xf32>,
      %get3A_188 = vector.shape_cast %get3A_187 : vector<1x16xf32> to vector<16xf32>
      %mul3A_189 = arith.constant 64 : i32
      %mul3A_190 = arith.muli %add3A_172, %mul3A_189 : i32
      %add3A_191 = arith.constant 16 : i32
      %add3A_192 = arith.addi %mul3A_190, %add3A_191 : i32
      %swap3A_193 = arith.index_cast %add3A_192 : i32 to index
      %swap3A_194 = tpu.vector_load %arg7[%swap3A_193] {strides = array<i32>} : memref<32768xf32, #tpu.memory_space<vmem>>, vector<16xf32>,
      %swap3A_195 = vector.shape_cast %swap3A_194 : vector<16xf32> to vector<16xf32>
      %swap3A_196 = vector.shape_cast %get3A_188 : vector<16xf32> to vector<16xf32>
      tpu.vector_store %arg7[%swap3A_193], %swap3A_196 {strides = array<i32>} : memref<32768xf32, #tpu.memory_space<vmem>>, vector<16xf32>,
      %get3A_197 = arith.index_cast %add3A_172 : i32 to index
      %get3A_198 = arith.constant 32 : index
      %get3A_199 = tpu.vector_load %arg6[%get3A_197, %get3A_198] {strides = array<i32>} : memref<512x64xf32, #tpu.memory_space<vmem>>, vector<1x16xf32>,
      %get3A_200 = vector.shape_cast %get3A_199 : vector<1x16xf32> to vector<16xf32>
      %mul3A_201 = arith.constant 64 : i32
      %mul3A_202 = arith.muli %add3A_172, %mul3A_201 : i32
      %add3A_203 = arith.constant 32 : i32
      %add3A_204 = arith.addi %mul3A_202, %add3A_203 : i32
      %swap3A_205 = arith.index_cast %add3A_204 : i32 to index
      %swap3A_206 = tpu.vector_load %arg7[%swap3A_205] {strides = array<i32>} : memref<32768xf32, #tpu.memory_space<vmem>>, vector<16xf32>,
      %swap3A_207 = vector.shape_cast %swap3A_206 : vector<16xf32> to vector<16xf32>
      %swap3A_208 = vector.shape_cast %get3A_200 : vector<16xf32> to vector<16xf32>
      tpu.vector_store %arg7[%swap3A_205], %swap3A_208 {strides = array<i32>} : memref<32768xf32, #tpu.memory_space<vmem>>, vector<16xf32>,
      %get3A_209 = arith.index_cast %add3A_172 : i32 to index
      %get3A_210 = arith.constant 48 : index
      %get3A_211 = tpu.vector_load %arg6[%get3A_209, %get3A_210] {strides = array<i32>} : memref<512x64xf32, #tpu.memory_space<vmem>>, vector<1x16xf32>,
      %get3A_212 = vector.shape_cast %get3A_211 : vector<1x16xf32> to vector<16xf32>
      %mul3A_213 = arith.constant 64 : i32
      %mul3A_214 = arith.muli %add3A_172, %mul3A_213 : i32
      %add3A_215 = arith.constant 48 : i32
      %add3A_216 = arith.addi %mul3A_214, %add3A_215 : i32
      %swap3A_217 = arith.index_cast %add3A_216 : i32 to index
      %swap3A_218 = tpu.vector_load %arg7[%swap3A_217] {strides = array<i32>} : memref<32768xf32, #tpu.memory_space<vmem>>, vector<16xf32>,
      %swap3A_219 = vector.shape_cast %swap3A_218 : vector<16xf32> to vector<16xf32>
      %swap3A_220 = vector.shape_cast %get3A_212 : vector<16xf32> to vector<16xf32>
      tpu.vector_store %arg7[%swap3A_217], %swap3A_220 {strides = array<i32>} : memref<32768xf32, #tpu.memory_space<vmem>>, vector<16xf32>,
      %mul3A_221 = arith.constant 16 : i32
      %mul3A_222 = arith.muli %scan3A_14, %mul3A_221 : i32
      %add3A_223 = arith.constant 4 : i32
      %add3A_224 = arith.addi %mul3A_222, %add3A_223 : i32
      %get3A_225 = arith.index_cast %add3A_224 : i32 to index
      %get3A_226 = arith.constant 0 : index
      %get3A_227 = tpu.vector_load %arg6[%get3A_225, %get3A_226] {strides = array<i32>} : memref<512x64xf32, #tpu.memory_space<vmem>>, vector<1x16xf32>,
      %get3A_228 = vector.shape_cast %get3A_227 : vector<1x16xf32> to vector<16xf32>
      %mul3A_229 = arith.constant 64 : i32
      %mul3A_230 = arith.muli %add3A_224, %mul3A_229 : i32
      %add3A_231 = arith.constant 0 : i32
      %add3A_232 = arith.addi %mul3A_230, %add3A_231 : i32
      %swap3A_233 = arith.index_cast %add3A_232 : i32 to index
      %swap3A_234 = tpu.vector_load %arg7[%swap3A_233] {strides = array<i32>} : memref<32768xf32, #tpu.memory_space<vmem>>, vector<16xf32>,
      %swap3A_235 = vector.shape_cast %swap3A_234 : vector<16xf32> to vector<16xf32>
      %swap3A_236 = vector.shape_cast %get3A_228 : vector<16xf32> to vector<16xf32>
      tpu.vector_store %arg7[%swap3A_233], %swap3A_236 {strides = array<i32>} : memref<32768xf32, #tpu.memory_space<vmem>>, vector<16xf32>,
      %get3A_237 = arith.index_cast %add3A_224 : i32 to index
      %get3A_238 = arith.constant 16 : index
      %get3A_239 = tpu.vector_load %arg6[%get3A_237, %get3A_238] {strides = array<i32>} : memref<512x64xf32, #tpu.memory_space<vmem>>, vector<1x16xf32>,
      %get3A_240 = vector.shape_cast %get3A_239 : vector<1x16xf32> to vector<16xf32>
      %mul3A_241 = arith.constant 64 : i32
      %mul3A_242 = arith.muli %add3A_224, %mul3A_241 : i32
      %add3A_243 = arith.constant 16 : i32
      %add3A_244 = arith.addi %mul3A_242, %add3A_243 : i32
      %swap3A_245 = arith.index_cast %add3A_244 : i32 to index
      %swap3A_246 = tpu.vector_load %arg7[%swap3A_245] {strides = array<i32>} : memref<32768xf32, #tpu.memory_space<vmem>>, vector<16xf32>,
      %swap3A_247 = vector.shape_cast %swap3A_246 : vector<16xf32> to vector<16xf32>
      %swap3A_248 = vector.shape_cast %get3A_240 : vector<16xf32> to vector<16xf32>
      tpu.vector_store %arg7[%swap3A_245], %swap3A_248 {strides = array<i32>} : memref<32768xf32, #tpu.memory_space<vmem>>, vector<16xf32>,
      %get3A_249 = arith.index_cast %add3A_224 : i32 to index
      %get3A_250 = arith.constant 32 : index
      %get3A_251 = tpu.vector_load %arg6[%get3A_249, %get3A_250] {strides = array<i32>} : memref<512x64xf32, #tpu.memory_space<vmem>>, vector<1x16xf32>,
      %get3A_252 = vector.shape_cast %get3A_251 : vector<1x16xf32> to vector<16xf32>
      %mul3A_253 = arith.constant 64 : i32
      %mul3A_254 = arith.muli %add3A_224, %mul3A_253 : i32
      %add3A_255 = arith.constant 32 : i32
      %add3A_256 = arith.addi %mul3A_254, %add3A_255 : i32
      %swap3A_257 = arith.index_cast %add3A_256 : i32 to index
      %swap3A_258 = tpu.vector_load %arg7[%swap3A_257] {strides = array<i32>} : memref<32768xf32, #tpu.memory_space<vmem>>, vector<16xf32>,
      %swap3A_259 = vector.shape_cast %swap3A_258 : vector<16xf32> to vector<16xf32>
      %swap3A_260 = vector.shape_cast %get3A_252 : vector<16xf32> to vector<16xf32>
      tpu.vector_store %arg7[%swap3A_257], %swap3A_260 {strides = array<i32>} : memref<32768xf32, #tpu.memory_space<vmem>>, vector<16xf32>,
      %get3A_261 = arith.index_cast %add3A_224 : i32 to index
      %get3A_262 = arith.constant 48 : index
      %get3A_263 = tpu.vector_load %arg6[%get3A_261, %get3A_262] {strides = array<i32>} : memref<512x64xf32, #tpu.memory_space<vmem>>, vector<1x16xf32>,
      %get3A_264 = vector.shape_cast %get3A_263 : vector<1x16xf32> to vector<16xf32>
      %mul3A_265 = arith.constant 64 : i32
      %mul3A_266 = arith.muli %add3A_224, %mul3A_265 : i32
      %add3A_267 = arith.constant 48 : i32
      %add3A_268 = arith.addi %mul3A_266, %add3A_267 : i32
      %swap3A_269 = arith.index_cast %add3A_268 : i32 to index
      %swap3A_270 = tpu.vector_load %arg7[%swap3A_269] {strides = array<i32>} : memref<32768xf32, #tpu.memory_space<vmem>>, vector<16xf32>,
      %swap3A_271 = vector.shape_cast %swap3A_270 : vector<16xf32> to vector<16xf32>
      %swap3A_272 = vector.shape_cast %get3A_264 : vector<16xf32> to vector<16xf32>
      tpu.vector_store %arg7[%swap3A_269], %swap3A_272 {strides = array<i32>} : memref<32768xf32, #tpu.memory_space<vmem>>, vector<16xf32>,
      %mul3A_273 = arith.constant 16 : i32
      %mul3A_274 = arith.muli %scan3A_14, %mul3A_273 : i32
      %add3A_275 = arith.constant 5 : i32
      %add3A_276 = arith.addi %mul3A_274, %add3A_275 : i32
      %get3A_277 = arith.index_cast %add3A_276 : i32 to index
      %get3A_278 = arith.constant 0 : index
      %get3A_279 = tpu.vector_load %arg6[%get3A_277, %get3A_278] {strides = array<i32>} : memref<512x64xf32, #tpu.memory_space<vmem>>, vector<1x16xf32>,
      %get3A_280 = vector.shape_cast %get3A_279 : vector<1x16xf32> to vector<16xf32>
      %mul3A_281 = arith.constant 64 : i32
      %mul3A_282 = arith.muli %add3A_276, %mul3A_281 : i32
      %add3A_283 = arith.constant 0 : i32
      %add3A_284 = arith.addi %mul3A_282, %add3A_283 : i32
      %swap3A_285 = arith.index_cast %add3A_284 : i32 to index
      %swap3A_286 = tpu.vector_load %arg7[%swap3A_285] {strides = array<i32>} : memref<32768xf32, #tpu.memory_space<vmem>>, vector<16xf32>,
      %swap3A_287 = vector.shape_cast %swap3A_286 : vector<16xf32> to vector<16xf32>
      %swap3A_288 = vector.shape_cast %get3A_280 : vector<16xf32> to vector<16xf32>
      tpu.vector_store %arg7[%swap3A_285], %swap3A_288 {strides = array<i32>} : memref<32768xf32, #tpu.memory_space<vmem>>, vector<16xf32>,
      %get3A_289 = arith.index_cast %add3A_276 : i32 to index
      %get3A_290 = arith.constant 16 : index
      %get3A_291 = tpu.vector_load %arg6[%get3A_289, %get3A_290] {strides = array<i32>} : memref<512x64xf32, #tpu.memory_space<vmem>>, vector<1x16xf32>,
      %get3A_292 = vector.shape_cast %get3A_291 : vector<1x16xf32> to vector<16xf32>
      %mul3A_293 = arith.constant 64 : i32
      %mul3A_294 = arith.muli %add3A_276, %mul3A_293 : i32
      %add3A_295 = arith.constant 16 : i32
      %add3A_296 = arith.addi %mul3A_294, %add3A_295 : i32
      %swap3A_297 = arith.index_cast %add3A_296 : i32 to index
      %swap3A_298 = tpu.vector_load %arg7[%swap3A_297] {strides = array<i32>} : memref<32768xf32, #tpu.memory_space<vmem>>, vector<16xf32>,
      %swap3A_299 = vector.shape_cast %swap3A_298 : vector<16xf32> to vector<16xf32>
      %swap3A_300 = vector.shape_cast %get3A_292 : vector<16xf32> to vector<16xf32>
      tpu.vector_store %arg7[%swap3A_297], %swap3A_300 {strides = array<i32>} : memref<32768xf32, #tpu.memory_space<vmem>>, vector<16xf32>,
      %get3A_301 = arith.index_cast %add3A_276 : i32 to index
      %get3A_302 = arith.constant 32 : index
      %get3A_303 = tpu.vector_load %arg6[%get3A_301, %get3A_302] {strides = array<i32>} : memref<512x64xf32, #tpu.memory_space<vmem>>, vector<1x16xf32>,
      %get3A_304 = vector.shape_cast %get3A_303 : vector<1x16xf32> to vector<16xf32>
      %mul3A_305 = arith.constant 64 : i32
      %mul3A_306 = arith.muli %add3A_276, %mul3A_305 : i32
      %add3A_307 = arith.constant 32 : i32
      %add3A_308 = arith.addi %mul3A_306, %add3A_307 : i32
      %swap3A_309 = arith.index_cast %add3A_308 : i32 to index
      %swap3A_310 = tpu.vector_load %arg7[%swap3A_309] {strides = array<i32>} : memref<32768xf32, #tpu.memory_space<vmem>>, vector<16xf32>,
      %swap3A_311 = vector.shape_cast %swap3A_310 : vector<16xf32> to vector<16xf32>
      %swap3A_312 = vector.shape_cast %get3A_304 : vector<16xf32> to vector<16xf32>
      tpu.vector_store %arg7[%swap3A_309], %swap3A_312 {strides = array<i32>} : memref<32768xf32, #tpu.memory_space<vmem>>, vector<16xf32>,
      %get3A_313 = arith.index_cast %add3A_276 : i32 to index
      %get3A_314 = arith.constant 48 : index
      %get3A_315 = tpu.vector_load %arg6[%get3A_313, %get3A_314] {strides = array<i32>} : memref<512x64xf32, #tpu.memory_space<vmem>>, vector<1x16xf32>,
      %get3A_316 = vector.shape_cast %get3A_315 : vector<1x16xf32> to vector<16xf32>
      %mul3A_317 = arith.constant 64 : i32
      %mul3A_318 = arith.muli %add3A_276, %mul3A_317 : i32
      %add3A_319 = arith.constant 48 : i32
      %add3A_320 = arith.addi %mul3A_318, %add3A_319 : i32
      %swap3A_321 = arith.index_cast %add3A_320 : i32 to index
      %swap3A_322 = tpu.vector_load %arg7[%swap3A_321] {strides = array<i32>} : memref<32768xf32, #tpu.memory_space<vmem>>, vector<16xf32>,
      %swap3A_323 = vector.shape_cast %swap3A_322 : vector<16xf32> to vector<16xf32>
      %swap3A_324 = vector.shape_cast %get3A_316 : vector<16xf32> to vector<16xf32>
      tpu.vector_store %arg7[%swap3A_321], %swap3A_324 {strides = array<i32>} : memref<32768xf32, #tpu.memory_space<vmem>>, vector<16xf32>,
      %mul3A_325 = arith.constant 16 : i32
      %mul3A_326 = arith.muli %scan3A_14, %mul3A_325 : i32
      %add3A_327 = arith.constant 6 : i32
      %add3A_328 = arith.addi %mul3A_326, %add3A_327 : i32
      %get3A_329 = arith.index_cast %add3A_328 : i32 to index
      %get3A_330 = arith.constant 0 : index
      %get3A_331 = tpu.vector_load %arg6[%get3A_329, %get3A_330] {strides = array<i32>} : memref<512x64xf32, #tpu.memory_space<vmem>>, vector<1x16xf32>,
      %get3A_332 = vector.shape_cast %get3A_331 : vector<1x16xf32> to vector<16xf32>
      %mul3A_333 = arith.constant 64 : i32
      %mul3A_334 = arith.muli %add3A_328, %mul3A_333 : i32
      %add3A_335 = arith.constant 0 : i32
      %add3A_336 = arith.addi %mul3A_334, %add3A_335 : i32
      %swap3A_337 = arith.index_cast %add3A_336 : i32 to index
      %swap3A_338 = tpu.vector_load %arg7[%swap3A_337] {strides = array<i32>} : memref<32768xf32, #tpu.memory_space<vmem>>, vector<16xf32>,
      %swap3A_339 = vector.shape_cast %swap3A_338 : vector<16xf32> to vector<16xf32>
      %swap3A_340 = vector.shape_cast %get3A_332 : vector<16xf32> to vector<16xf32>
      tpu.vector_store %arg7[%swap3A_337], %swap3A_340 {strides = array<i32>} : memref<32768xf32, #tpu.memory_space<vmem>>, vector<16xf32>,
      %get3A_341 = arith.index_cast %add3A_328 : i32 to index
      %get3A_342 = arith.constant 16 : index
      %get3A_343 = tpu.vector_load %arg6[%get3A_341, %get3A_342] {strides = array<i32>} : memref<512x64xf32, #tpu.memory_space<vmem>>, vector<1x16xf32>,
      %get3A_344 = vector.shape_cast %get3A_343 : vector<1x16xf32> to vector<16xf32>
      %mul3A_345 = arith.constant 64 : i32
      %mul3A_346 = arith.muli %add3A_328, %mul3A_345 : i32
      %add3A_347 = arith.constant 16 : i32
      %add3A_348 = arith.addi %mul3A_346, %add3A_347 : i32
      %swap3A_349 = arith.index_cast %add3A_348 : i32 to index
      %swap3A_350 = tpu.vector_load %arg7[%swap3A_349] {strides = array<i32>} : memref<32768xf32, #tpu.memory_space<vmem>>, vector<16xf32>,
      %swap3A_351 = vector.shape_cast %swap3A_350 : vector<16xf32> to vector<16xf32>
      %swap3A_352 = vector.shape_cast %get3A_344 : vector<16xf32> to vector<16xf32>
      tpu.vector_store %arg7[%swap3A_349], %swap3A_352 {strides = array<i32>} : memref<32768xf32, #tpu.memory_space<vmem>>, vector<16xf32>,
      %get3A_353 = arith.index_cast %add3A_328 : i32 to index
      %get3A_354 = arith.constant 32 : index
      %get3A_355 = tpu.vector_load %arg6[%get3A_353, %get3A_354] {strides = array<i32>} : memref<512x64xf32, #tpu.memory_space<vmem>>, vector<1x16xf32>,
      %get3A_356 = vector.shape_cast %get3A_355 : vector<1x16xf32> to vector<16xf32>
      %mul3A_357 = arith.constant 64 : i32
      %mul3A_358 = arith.muli %add3A_328, %mul3A_357 : i32
      %add3A_359 = arith.constant 32 : i32
      %add3A_360 = arith.addi %mul3A_358, %add3A_359 : i32
      %swap3A_361 = arith.index_cast %add3A_360 : i32 to index
      %swap3A_362 = tpu.vector_load %arg7[%swap3A_361] {strides = array<i32>} : memref<32768xf32, #tpu.memory_space<vmem>>, vector<16xf32>,
      %swap3A_363 = vector.shape_cast %swap3A_362 : vector<16xf32> to vector<16xf32>
      %swap3A_364 = vector.shape_cast %get3A_356 : vector<16xf32> to vector<16xf32>
      tpu.vector_store %arg7[%swap3A_361], %swap3A_364 {strides = array<i32>} : memref<32768xf32, #tpu.memory_space<vmem>>, vector<16xf32>,
      %get3A_365 = arith.index_cast %add3A_328 : i32 to index
      %get3A_366 = arith.constant 48 : index
      %get3A_367 = tpu.vector_load %arg6[%get3A_365, %get3A_366] {strides = array<i32>} : memref<512x64xf32, #tpu.memory_space<vmem>>, vector<1x16xf32>,
      %get3A_368 = vector.shape_cast %get3A_367 : vector<1x16xf32> to vector<16xf32>
      %mul3A_369 = arith.constant 64 : i32
      %mul3A_370 = arith.muli %add3A_328, %mul3A_369 : i32
      %add3A_371 = arith.constant 48 : i32
      %add3A_372 = arith.addi %mul3A_370, %add3A_371 : i32
      %swap3A_373 = arith.index_cast %add3A_372 : i32 to index
      %swap3A_374 = tpu.vector_load %arg7[%swap3A_373] {strides = array<i32>} : memref<32768xf32, #tpu.memory_space<vmem>>, vector<16xf32>,
      %swap3A_375 = vector.shape_cast %swap3A_374 : vector<16xf32> to vector<16xf32>
      %swap3A_376 = vector.shape_cast %get3A_368 : vector<16xf32> to vector<16xf32>
      tpu.vector_store %arg7[%swap3A_373], %swap3A_376 {strides = array<i32>} : memref<32768xf32, #tpu.memory_space<vmem>>, vector<16xf32>,
      %mul3A_377 = arith.constant 16 : i32
      %mul3A_378 = arith.muli %scan3A_14, %mul3A_377 : i32
      %add3A_379 = arith.constant 7 : i32
      %add3A_380 = arith.addi %mul3A_378, %add3A_379 : i32
      %get3A_381 = arith.index_cast %add3A_380 : i32 to index
      %get3A_382 = arith.constant 0 : index
      %get3A_383 = tpu.vector_load %arg6[%get3A_381, %get3A_382] {strides = array<i32>} : memref<512x64xf32, #tpu.memory_space<vmem>>, vector<1x16xf32>,
      %get3A_384 = vector.shape_cast %get3A_383 : vector<1x16xf32> to vector<16xf32>
      %mul3A_385 = arith.constant 64 : i32
      %mul3A_386 = arith.muli %add3A_380, %mul3A_385 : i32
      %add3A_387 = arith.constant 0 : i32
      %add3A_388 = arith.addi %mul3A_386, %add3A_387 : i32
      %swap3A_389 = arith.index_cast %add3A_388 : i32 to index
      %swap3A_390 = tpu.vector_load %arg7[%swap3A_389] {strides = array<i32>} : memref<32768xf32, #tpu.memory_space<vmem>>, vector<16xf32>,
      %swap3A_391 = vector.shape_cast %swap3A_390 : vector<16xf32> to vector<16xf32>
      %swap3A_392 = vector.shape_cast %get3A_384 : vector<16xf32> to vector<16xf32>
      tpu.vector_store %arg7[%swap3A_389], %swap3A_392 {strides = array<i32>} : memref<32768xf32, #tpu.memory_space<vmem>>, vector<16xf32>,
      %get3A_393 = arith.index_cast %add3A_380 : i32 to index
      %get3A_394 = arith.constant 16 : index
      %get3A_395 = tpu.vector_load %arg6[%get3A_393, %get3A_394] {strides = array<i32>} : memref<512x64xf32, #tpu.memory_space<vmem>>, vector<1x16xf32>,
      %get3A_396 = vector.shape_cast %get3A_395 : vector<1x16xf32> to vector<16xf32>
      %mul3A_397 = arith.constant 64 : i32
      %mul3A_398 = arith.muli %add3A_380, %mul3A_397 : i32
      %add3A_399 = arith.constant 16 : i32
      %add3A_400 = arith.addi %mul3A_398, %add3A_399 : i32
      %swap3A_401 = arith.index_cast %add3A_400 : i32 to index
      %swap3A_402 = tpu.vector_load %arg7[%swap3A_401] {strides = array<i32>} : memref<32768xf32, #tpu.memory_space<vmem>>, vector<16xf32>,
      %swap3A_403 = vector.shape_cast %swap3A_402 : vector<16xf32> to vector<16xf32>
      %swap3A_404 = vector.shape_cast %get3A_396 : vector<16xf32> to vector<16xf32>
      tpu.vector_store %arg7[%swap3A_401], %swap3A_404 {strides = array<i32>} : memref<32768xf32, #tpu.memory_space<vmem>>, vector<16xf32>,
      %get3A_405 = arith.index_cast %add3A_380 : i32 to index
      %get3A_406 = arith.constant 32 : index
      %get3A_407 = tpu.vector_load %arg6[%get3A_405, %get3A_406] {strides = array<i32>} : memref<512x64xf32, #tpu.memory_space<vmem>>, vector<1x16xf32>,
      %get3A_408 = vector.shape_cast %get3A_407 : vector<1x16xf32> to vector<16xf32>
      %mul3A_409 = arith.constant 64 : i32
      %mul3A_410 = arith.muli %add3A_380, %mul3A_409 : i32
      %add3A_411 = arith.constant 32 : i32
      %add3A_412 = arith.addi %mul3A_410, %add3A_411 : i32
      %swap3A_413 = arith.index_cast %add3A_412 : i32 to index
      %swap3A_414 = tpu.vector_load %arg7[%swap3A_413] {strides = array<i32>} : memref<32768xf32, #tpu.memory_space<vmem>>, vector<16xf32>,
      %swap3A_415 = vector.shape_cast %swap3A_414 : vector<16xf32> to vector<16xf32>
      %swap3A_416 = vector.shape_cast %get3A_408 : vector<16xf32> to vector<16xf32>
      tpu.vector_store %arg7[%swap3A_413], %swap3A_416 {strides = array<i32>} : memref<32768xf32, #tpu.memory_space<vmem>>, vector<16xf32>,
      %get3A_417 = arith.index_cast %add3A_380 : i32 to index
      %get3A_418 = arith.constant 48 : index
      %get3A_419 = tpu.vector_load %arg6[%get3A_417, %get3A_418] {strides = array<i32>} : memref<512x64xf32, #tpu.memory_space<vmem>>, vector<1x16xf32>,
      %get3A_420 = vector.shape_cast %get3A_419 : vector<1x16xf32> to vector<16xf32>
      %mul3A_421 = arith.constant 64 : i32
      %mul3A_422 = arith.muli %add3A_380, %mul3A_421 : i32
      %add3A_423 = arith.constant 48 : i32
      %add3A_424 = arith.addi %mul3A_422, %add3A_423 : i32
      %swap3A_425 = arith.index_cast %add3A_424 : i32 to index
      %swap3A_426 = tpu.vector_load %arg7[%swap3A_425] {strides = array<i32>} : memref<32768xf32, #tpu.memory_space<vmem>>, vector<16xf32>,
      %swap3A_427 = vector.shape_cast %swap3A_426 : vector<16xf32> to vector<16xf32>
      %swap3A_428 = vector.shape_cast %get3A_420 : vector<16xf32> to vector<16xf32>
      tpu.vector_store %arg7[%swap3A_425], %swap3A_428 {strides = array<i32>} : memref<32768xf32, #tpu.memory_space<vmem>>, vector<16xf32>,
      %mul3A_429 = arith.constant 16 : i32
      %mul3A_430 = arith.muli %scan3A_14, %mul3A_429 : i32
      %add3A_431 = arith.constant 8 : i32
      %add3A_432 = arith.addi %mul3A_430, %add3A_431 : i32
      %get3A_433 = arith.index_cast %add3A_432 : i32 to index
      %get3A_434 = arith.constant 0 : index
      %get3A_435 = tpu.vector_load %arg6[%get3A_433, %get3A_434] {strides = array<i32>} : memref<512x64xf32, #tpu.memory_space<vmem>>, vector<1x16xf32>,
      %get3A_436 = vector.shape_cast %get3A_435 : vector<1x16xf32> to vector<16xf32>
      %mul3A_437 = arith.constant 64 : i32
      %mul3A_438 = arith.muli %add3A_432, %mul3A_437 : i32
      %add3A_439 = arith.constant 0 : i32
      %add3A_440 = arith.addi %mul3A_438, %add3A_439 : i32
      %swap3A_441 = arith.index_cast %add3A_440 : i32 to index
      %swap3A_442 = tpu.vector_load %arg7[%swap3A_441] {strides = array<i32>} : memref<32768xf32, #tpu.memory_space<vmem>>, vector<16xf32>,
      %swap3A_443 = vector.shape_cast %swap3A_442 : vector<16xf32> to vector<16xf32>
      %swap3A_444 = vector.shape_cast %get3A_436 : vector<16xf32> to vector<16xf32>
      tpu.vector_store %arg7[%swap3A_441], %swap3A_444 {strides = array<i32>} : memref<32768xf32, #tpu.memory_space<vmem>>, vector<16xf32>,
      %get3A_445 = arith.index_cast %add3A_432 : i32 to index
      %get3A_446 = arith.constant 16 : index
      %get3A_447 = tpu.vector_load %arg6[%get3A_445, %get3A_446] {strides = array<i32>} : memref<512x64xf32, #tpu.memory_space<vmem>>, vector<1x16xf32>,
      %get3A_448 = vector.shape_cast %get3A_447 : vector<1x16xf32> to vector<16xf32>
      %mul3A_449 = arith.constant 64 : i32
      %mul3A_450 = arith.muli %add3A_432, %mul3A_449 : i32
      %add3A_451 = arith.constant 16 : i32
      %add3A_452 = arith.addi %mul3A_450, %add3A_451 : i32
      %swap3A_453 = arith.index_cast %add3A_452 : i32 to index
      %swap3A_454 = tpu.vector_load %arg7[%swap3A_453] {strides = array<i32>} : memref<32768xf32, #tpu.memory_space<vmem>>, vector<16xf32>,
      %swap3A_455 = vector.shape_cast %swap3A_454 : vector<16xf32> to vector<16xf32>
      %swap3A_456 = vector.shape_cast %get3A_448 : vector<16xf32> to vector<16xf32>
      tpu.vector_store %arg7[%swap3A_453], %swap3A_456 {strides = array<i32>} : memref<32768xf32, #tpu.memory_space<vmem>>, vector<16xf32>,
      %get3A_457 = arith.index_cast %add3A_432 : i32 to index
      %get3A_458 = arith.constant 32 : index
      %get3A_459 = tpu.vector_load %arg6[%get3A_457, %get3A_458] {strides = array<i32>} : memref<512x64xf32, #tpu.memory_space<vmem>>, vector<1x16xf32>,
      %get3A_460 = vector.shape_cast %get3A_459 : vector<1x16xf32> to vector<16xf32>
      %mul3A_461 = arith.constant 64 : i32
      %mul3A_462 = arith.muli %add3A_432, %mul3A_461 : i32
      %add3A_463 = arith.constant 32 : i32
      %add3A_464 = arith.addi %mul3A_462, %add3A_463 : i32
      %swap3A_465 = arith.index_cast %add3A_464 : i32 to index
      %swap3A_466 = tpu.vector_load %arg7[%swap3A_465] {strides = array<i32>} : memref<32768xf32, #tpu.memory_space<vmem>>, vector<16xf32>,
      %swap3A_467 = vector.shape_cast %swap3A_466 : vector<16xf32> to vector<16xf32>
      %swap3A_468 = vector.shape_cast %get3A_460 : vector<16xf32> to vector<16xf32>
      tpu.vector_store %arg7[%swap3A_465], %swap3A_468 {strides = array<i32>} : memref<32768xf32, #tpu.memory_space<vmem>>, vector<16xf32>,
      %get3A_469 = arith.index_cast %add3A_432 : i32 to index
      %get3A_470 = arith.constant 48 : index
      %get3A_471 = tpu.vector_load %arg6[%get3A_469, %get3A_470] {strides = array<i32>} : memref<512x64xf32, #tpu.memory_space<vmem>>, vector<1x16xf32>,
      %get3A_472 = vector.shape_cast %get3A_471 : vector<1x16xf32> to vector<16xf32>
      %mul3A_473 = arith.constant 64 : i32
      %mul3A_474 = arith.muli %add3A_432, %mul3A_473 : i32
      %add3A_475 = arith.constant 48 : i32
      %add3A_476 = arith.addi %mul3A_474, %add3A_475 : i32
      %swap3A_477 = arith.index_cast %add3A_476 : i32 to index
      %swap3A_478 = tpu.vector_load %arg7[%swap3A_477] {strides = array<i32>} : memref<32768xf32, #tpu.memory_space<vmem>>, vector<16xf32>,
      %swap3A_479 = vector.shape_cast %swap3A_478 : vector<16xf32> to vector<16xf32>
      %swap3A_480 = vector.shape_cast %get3A_472 : vector<16xf32> to vector<16xf32>
      tpu.vector_store %arg7[%swap3A_477], %swap3A_480 {strides = array<i32>} : memref<32768xf32, #tpu.memory_space<vmem>>, vector<16xf32>,
      %mul3A_481 = arith.constant 16 : i32
      %mul3A_482 = arith.muli %scan3A_14, %mul3A_481 : i32
      %add3A_483 = arith.constant 9 : i32
      %add3A_484 = arith.addi %mul3A_482, %add3A_483 : i32
      %get3A_485 = arith.index_cast %add3A_484 : i32 to index
      %get3A_486 = arith.constant 0 : index
      %get3A_487 = tpu.vector_load %arg6[%get3A_485, %get3A_486] {strides = array<i32>} : memref<512x64xf32, #tpu.memory_space<vmem>>, vector<1x16xf32>,
      %get3A_488 = vector.shape_cast %get3A_487 : vector<1x16xf32> to vector<16xf32>
      %mul3A_489 = arith.constant 64 : i32
      %mul3A_490 = arith.muli %add3A_484, %mul3A_489 : i32
      %add3A_491 = arith.constant 0 : i32
      %add3A_492 = arith.addi %mul3A_490, %add3A_491 : i32
      %swap3A_493 = arith.index_cast %add3A_492 : i32 to index
      %swap3A_494 = tpu.vector_load %arg7[%swap3A_493] {strides = array<i32>} : memref<32768xf32, #tpu.memory_space<vmem>>, vector<16xf32>,
      %swap3A_495 = vector.shape_cast %swap3A_494 : vector<16xf32> to vector<16xf32>
      %swap3A_496 = vector.shape_cast %get3A_488 : vector<16xf32> to vector<16xf32>
      tpu.vector_store %arg7[%swap3A_493], %swap3A_496 {strides = array<i32>} : memref<32768xf32, #tpu.memory_space<vmem>>, vector<16xf32>,
      %get3A_497 = arith.index_cast %add3A_484 : i32 to index
      %get3A_498 = arith.constant 16 : index
      %get3A_499 = tpu.vector_load %arg6[%get3A_497, %get3A_498] {strides = array<i32>} : memref<512x64xf32, #tpu.memory_space<vmem>>, vector<1x16xf32>,
      %get3A_500 = vector.shape_cast %get3A_499 : vector<1x16xf32> to vector<16xf32>
      %mul3A_501 = arith.constant 64 : i32
      %mul3A_502 = arith.muli %add3A_484, %mul3A_501 : i32
      %add3A_503 = arith.constant 16 : i32
      %add3A_504 = arith.addi %mul3A_502, %add3A_503 : i32
      %swap3A_505 = arith.index_cast %add3A_504 : i32 to index
      %swap3A_506 = tpu.vector_load %arg7[%swap3A_505] {strides = array<i32>} : memref<32768xf32, #tpu.memory_space<vmem>>, vector<16xf32>,
      %swap3A_507 = vector.shape_cast %swap3A_506 : vector<16xf32> to vector<16xf32>
      %swap3A_508 = vector.shape_cast %get3A_500 : vector<16xf32> to vector<16xf32>
      tpu.vector_store %arg7[%swap3A_505], %swap3A_508 {strides = array<i32>} : memref<32768xf32, #tpu.memory_space<vmem>>, vector<16xf32>,
      %get3A_509 = arith.index_cast %add3A_484 : i32 to index
      %get3A_510 = arith.constant 32 : index
      %get3A_511 = tpu.vector_load %arg6[%get3A_509, %get3A_510] {strides = array<i32>} : memref<512x64xf32, #tpu.memory_space<vmem>>, vector<1x16xf32>,
      %get3A_512 = vector.shape_cast %get3A_511 : vector<1x16xf32> to vector<16xf32>
      %mul3A_513 = arith.constant 64 : i32
      %mul3A_514 = arith.muli %add3A_484, %mul3A_513 : i32
      %add3A_515 = arith.constant 32 : i32
      %add3A_516 = arith.addi %mul3A_514, %add3A_515 : i32
      %swap3A_517 = arith.index_cast %add3A_516 : i32 to index
      %swap3A_518 = tpu.vector_load %arg7[%swap3A_517] {strides = array<i32>} : memref<32768xf32, #tpu.memory_space<vmem>>, vector<16xf32>,
      %swap3A_519 = vector.shape_cast %swap3A_518 : vector<16xf32> to vector<16xf32>
      %swap3A_520 = vector.shape_cast %get3A_512 : vector<16xf32> to vector<16xf32>
      tpu.vector_store %arg7[%swap3A_517], %swap3A_520 {strides = array<i32>} : memref<32768xf32, #tpu.memory_space<vmem>>, vector<16xf32>,
      %get3A_521 = arith.index_cast %add3A_484 : i32 to index
      %get3A_522 = arith.constant 48 : index
      %get3A_523 = tpu.vector_load %arg6[%get3A_521, %get3A_522] {strides = array<i32>} : memref<512x64xf32, #tpu.memory_space<vmem>>, vector<1x16xf32>,
      %get3A_524 = vector.shape_cast %get3A_523 : vector<1x16xf32> to vector<16xf32>
      %mul3A_525 = arith.constant 64 : i32
      %mul3A_526 = arith.muli %add3A_484, %mul3A_525 : i32
      %add3A_527 = arith.constant 48 : i32
      %add3A_528 = arith.addi %mul3A_526, %add3A_527 : i32
      %swap3A_529 = arith.index_cast %add3A_528 : i32 to index
      %swap3A_530 = tpu.vector_load %arg7[%swap3A_529] {strides = array<i32>} : memref<32768xf32, #tpu.memory_space<vmem>>, vector<16xf32>,
      %swap3A_531 = vector.shape_cast %swap3A_530 : vector<16xf32> to vector<16xf32>
      %swap3A_532 = vector.shape_cast %get3A_524 : vector<16xf32> to vector<16xf32>
      tpu.vector_store %arg7[%swap3A_529], %swap3A_532 {strides = array<i32>} : memref<32768xf32, #tpu.memory_space<vmem>>, vector<16xf32>,
      %mul3A_533 = arith.constant 16 : i32
      %mul3A_534 = arith.muli %scan3A_14, %mul3A_533 : i32
      %add3A_535 = arith.constant 10 : i32
      %add3A_536 = arith.addi %mul3A_534, %add3A_535 : i32
      %get3A_537 = arith.index_cast %add3A_536 : i32 to index
      %get3A_538 = arith.constant 0 : index
      %get3A_539 = tpu.vector_load %arg6[%get3A_537, %get3A_538] {strides = array<i32>} : memref<512x64xf32, #tpu.memory_space<vmem>>, vector<1x16xf32>,
      %get3A_540 = vector.shape_cast %get3A_539 : vector<1x16xf32> to vector<16xf32>
      %mul3A_541 = arith.constant 64 : i32
      %mul3A_542 = arith.muli %add3A_536, %mul3A_541 : i32
      %add3A_543 = arith.constant 0 : i32
      %add3A_544 = arith.addi %mul3A_542, %add3A_543 : i32
      %swap3A_545 = arith.index_cast %add3A_544 : i32 to index
      %swap3A_546 = tpu.vector_load %arg7[%swap3A_545] {strides = array<i32>} : memref<32768xf32, #tpu.memory_space<vmem>>, vector<16xf32>,
      %swap3A_547 = vector.shape_cast %swap3A_546 : vector<16xf32> to vector<16xf32>
      %swap3A_548 = vector.shape_cast %get3A_540 : vector<16xf32> to vector<16xf32>
      tpu.vector_store %arg7[%swap3A_545], %swap3A_548 {strides = array<i32>} : memref<32768xf32, #tpu.memory_space<vmem>>, vector<16xf32>,
      %get3A_549 = arith.index_cast %add3A_536 : i32 to index
      %get3A_550 = arith.constant 16 : index
      %get3A_551 = tpu.vector_load %arg6[%get3A_549, %get3A_550] {strides = array<i32>} : memref<512x64xf32, #tpu.memory_space<vmem>>, vector<1x16xf32>,
      %get3A_552 = vector.shape_cast %get3A_551 : vector<1x16xf32> to vector<16xf32>
      %mul3A_553 = arith.constant 64 : i32
      %mul3A_554 = arith.muli %add3A_536, %mul3A_553 : i32
      %add3A_555 = arith.constant 16 : i32
      %add3A_556 = arith.addi %mul3A_554, %add3A_555 : i32
      %swap3A_557 = arith.index_cast %add3A_556 : i32 to index
      %swap3A_558 = tpu.vector_load %arg7[%swap3A_557] {strides = array<i32>} : memref<32768xf32, #tpu.memory_space<vmem>>, vector<16xf32>,
      %swap3A_559 = vector.shape_cast %swap3A_558 : vector<16xf32> to vector<16xf32>
      %swap3A_560 = vector.shape_cast %get3A_552 : vector<16xf32> to vector<16xf32>
      tpu.vector_store %arg7[%swap3A_557], %swap3A_560 {strides = array<i32>} : memref<32768xf32, #tpu.memory_space<vmem>>, vector<16xf32>,
      %get3A_561 = arith.index_cast %add3A_536 : i32 to index
      %get3A_562 = arith.constant 32 : index
      %get3A_563 = tpu.vector_load %arg6[%get3A_561, %get3A_562] {strides = array<i32>} : memref<512x64xf32, #tpu.memory_space<vmem>>, vector<1x16xf32>,
      %get3A_564 = vector.shape_cast %get3A_563 : vector<1x16xf32> to vector<16xf32>
      %mul3A_565 = arith.constant 64 : i32
      %mul3A_566 = arith.muli %add3A_536, %mul3A_565 : i32
      %add3A_567 = arith.constant 32 : i32
      %add3A_568 = arith.addi %mul3A_566, %add3A_567 : i32
      %swap3A_569 = arith.index_cast %add3A_568 : i32 to index
      %swap3A_570 = tpu.vector_load %arg7[%swap3A_569] {strides = array<i32>} : memref<32768xf32, #tpu.memory_space<vmem>>, vector<16xf32>,
      %swap3A_571 = vector.shape_cast %swap3A_570 : vector<16xf32> to vector<16xf32>
      %swap3A_572 = vector.shape_cast %get3A_564 : vector<16xf32> to vector<16xf32>
      tpu.vector_store %arg7[%swap3A_569], %swap3A_572 {strides = array<i32>} : memref<32768xf32, #tpu.memory_space<vmem>>, vector<16xf32>,
      %get3A_573 = arith.index_cast %add3A_536 : i32 to index
      %get3A_574 = arith.constant 48 : index
      %get3A_575 = tpu.vector_load %arg6[%get3A_573, %get3A_574] {strides = array<i32>} : memref<512x64xf32, #tpu.memory_space<vmem>>, vector<1x16xf32>,
      %get3A_576 = vector.shape_cast %get3A_575 : vector<1x16xf32> to vector<16xf32>
      %mul3A_577 = arith.constant 64 : i32
      %mul3A_578 = arith.muli %add3A_536, %mul3A_577 : i32
      %add3A_579 = arith.constant 48 : i32
      %add3A_580 = arith.addi %mul3A_578, %add3A_579 : i32
      %swap3A_581 = arith.index_cast %add3A_580 : i32 to index
      %swap3A_582 = tpu.vector_load %arg7[%swap3A_581] {strides = array<i32>} : memref<32768xf32, #tpu.memory_space<vmem>>, vector<16xf32>,
      %swap3A_583 = vector.shape_cast %swap3A_582 : vector<16xf32> to vector<16xf32>
      %swap3A_584 = vector.shape_cast %get3A_576 : vector<16xf32> to vector<16xf32>
      tpu.vector_store %arg7[%swap3A_581], %swap3A_584 {strides = array<i32>} : memref<32768xf32, #tpu.memory_space<vmem>>, vector<16xf32>,
      %mul3A_585 = arith.constant 16 : i32
      %mul3A_586 = arith.muli %scan3A_14, %mul3A_585 : i32
      %add3A_587 = arith.constant 11 : i32
      %add3A_588 = arith.addi %mul3A_586, %add3A_587 : i32
      %get3A_589 = arith.index_cast %add3A_588 : i32 to index
      %get3A_590 = arith.constant 0 : index
      %get3A_591 = tpu.vector_load %arg6[%get3A_589, %get3A_590] {strides = array<i32>} : memref<512x64xf32, #tpu.memory_space<vmem>>, vector<1x16xf32>,
      %get3A_592 = vector.shape_cast %get3A_591 : vector<1x16xf32> to vector<16xf32>
      %mul3A_593 = arith.constant 64 : i32
      %mul3A_594 = arith.muli %add3A_588, %mul3A_593 : i32
      %add3A_595 = arith.constant 0 : i32
      %add3A_596 = arith.addi %mul3A_594, %add3A_595 : i32
      %swap3A_597 = arith.index_cast %add3A_596 : i32 to index
      %swap3A_598 = tpu.vector_load %arg7[%swap3A_597] {strides = array<i32>} : memref<32768xf32, #tpu.memory_space<vmem>>, vector<16xf32>,
      %swap3A_599 = vector.shape_cast %swap3A_598 : vector<16xf32> to vector<16xf32>
      %swap3A_600 = vector.shape_cast %get3A_592 : vector<16xf32> to vector<16xf32>
      tpu.vector_store %arg7[%swap3A_597], %swap3A_600 {strides = array<i32>} : memref<32768xf32, #tpu.memory_space<vmem>>, vector<16xf32>,
      %get3A_601 = arith.index_cast %add3A_588 : i32 to index
      %get3A_602 = arith.constant 16 : index
      %get3A_603 = tpu.vector_load %arg6[%get3A_601, %get3A_602] {strides = array<i32>} : memref<512x64xf32, #tpu.memory_space<vmem>>, vector<1x16xf32>,
      %get3A_604 = vector.shape_cast %get3A_603 : vector<1x16xf32> to vector<16xf32>
      %mul3A_605 = arith.constant 64 : i32
      %mul3A_606 = arith.muli %add3A_588, %mul3A_605 : i32
      %add3A_607 = arith.constant 16 : i32
      %add3A_608 = arith.addi %mul3A_606, %add3A_607 : i32
      %swap3A_609 = arith.index_cast %add3A_608 : i32 to index
      %swap3A_610 = tpu.vector_load %arg7[%swap3A_609] {strides = array<i32>} : memref<32768xf32, #tpu.memory_space<vmem>>, vector<16xf32>,
      %swap3A_611 = vector.shape_cast %swap3A_610 : vector<16xf32> to vector<16xf32>
      %swap3A_612 = vector.shape_cast %get3A_604 : vector<16xf32> to vector<16xf32>
      tpu.vector_store %arg7[%swap3A_609], %swap3A_612 {strides = array<i32>} : memref<32768xf32, #tpu.memory_space<vmem>>, vector<16xf32>,
      %get3A_613 = arith.index_cast %add3A_588 : i32 to index
      %get3A_614 = arith.constant 32 : index
      %get3A_615 = tpu.vector_load %arg6[%get3A_613, %get3A_614] {strides = array<i32>} : memref<512x64xf32, #tpu.memory_space<vmem>>, vector<1x16xf32>,
      %get3A_616 = vector.shape_cast %get3A_615 : vector<1x16xf32> to vector<16xf32>
      %mul3A_617 = arith.constant 64 : i32
      %mul3A_618 = arith.muli %add3A_588, %mul3A_617 : i32
      %add3A_619 = arith.constant 32 : i32
      %add3A_620 = arith.addi %mul3A_618, %add3A_619 : i32
      %swap3A_621 = arith.index_cast %add3A_620 : i32 to index
      %swap3A_622 = tpu.vector_load %arg7[%swap3A_621] {strides = array<i32>} : memref<32768xf32, #tpu.memory_space<vmem>>, vector<16xf32>,
      %swap3A_623 = vector.shape_cast %swap3A_622 : vector<16xf32> to vector<16xf32>
      %swap3A_624 = vector.shape_cast %get3A_616 : vector<16xf32> to vector<16xf32>
      tpu.vector_store %arg7[%swap3A_621], %swap3A_624 {strides = array<i32>} : memref<32768xf32, #tpu.memory_space<vmem>>, vector<16xf32>,
      %get3A_625 = arith.index_cast %add3A_588 : i32 to index
      %get3A_626 = arith.constant 48 : index
      %get3A_627 = tpu.vector_load %arg6[%get3A_625, %get3A_626] {strides = array<i32>} : memref<512x64xf32, #tpu.memory_space<vmem>>, vector<1x16xf32>,
      %get3A_628 = vector.shape_cast %get3A_627 : vector<1x16xf32> to vector<16xf32>
      %mul3A_629 = arith.constant 64 : i32
      %mul3A_630 = arith.muli %add3A_588, %mul3A_629 : i32
      %add3A_631 = arith.constant 48 : i32
      %add3A_632 = arith.addi %mul3A_630, %add3A_631 : i32
      %swap3A_633 = arith.index_cast %add3A_632 : i32 to index
      %swap3A_634 = tpu.vector_load %arg7[%swap3A_633] {strides = array<i32>} : memref<32768xf32, #tpu.memory_space<vmem>>, vector<16xf32>,
      %swap3A_635 = vector.shape_cast %swap3A_634 : vector<16xf32> to vector<16xf32>
      %swap3A_636 = vector.shape_cast %get3A_628 : vector<16xf32> to vector<16xf32>
      tpu.vector_store %arg7[%swap3A_633], %swap3A_636 {strides = array<i32>} : memref<32768xf32, #tpu.memory_space<vmem>>, vector<16xf32>,
      %mul3A_637 = arith.constant 16 : i32
      %mul3A_638 = arith.muli %scan3A_14, %mul3A_637 : i32
      %add3A_639 = arith.constant 12 : i32
      %add3A_640 = arith.addi %mul3A_638, %add3A_639 : i32
      %get3A_641 = arith.index_cast %add3A_640 : i32 to index
      %get3A_642 = arith.constant 0 : index
      %get3A_643 = tpu.vector_load %arg6[%get3A_641, %get3A_642] {strides = array<i32>} : memref<512x64xf32, #tpu.memory_space<vmem>>, vector<1x16xf32>,
      %get3A_644 = vector.shape_cast %get3A_643 : vector<1x16xf32> to vector<16xf32>
      %mul3A_645 = arith.constant 64 : i32
      %mul3A_646 = arith.muli %add3A_640, %mul3A_645 : i32
      %add3A_647 = arith.constant 0 : i32
      %add3A_648 = arith.addi %mul3A_646, %add3A_647 : i32
      %swap3A_649 = arith.index_cast %add3A_648 : i32 to index
      %swap3A_650 = tpu.vector_load %arg7[%swap3A_649] {strides = array<i32>} : memref<32768xf32, #tpu.memory_space<vmem>>, vector<16xf32>,
      %swap3A_651 = vector.shape_cast %swap3A_650 : vector<16xf32> to vector<16xf32>
      %swap3A_652 = vector.shape_cast %get3A_644 : vector<16xf32> to vector<16xf32>
      tpu.vector_store %arg7[%swap3A_649], %swap3A_652 {strides = array<i32>} : memref<32768xf32, #tpu.memory_space<vmem>>, vector<16xf32>,
      %get3A_653 = arith.index_cast %add3A_640 : i32 to index
      %get3A_654 = arith.constant 16 : index
      %get3A_655 = tpu.vector_load %arg6[%get3A_653, %get3A_654] {strides = array<i32>} : memref<512x64xf32, #tpu.memory_space<vmem>>, vector<1x16xf32>,
      %get3A_656 = vector.shape_cast %get3A_655 : vector<1x16xf32> to vector<16xf32>
      %mul3A_657 = arith.constant 64 : i32
      %mul3A_658 = arith.muli %add3A_640, %mul3A_657 : i32
      %add3A_659 = arith.constant 16 : i32
      %add3A_660 = arith.addi %mul3A_658, %add3A_659 : i32
      %swap3A_661 = arith.index_cast %add3A_660 : i32 to index
      %swap3A_662 = tpu.vector_load %arg7[%swap3A_661] {strides = array<i32>} : memref<32768xf32, #tpu.memory_space<vmem>>, vector<16xf32>,
      %swap3A_663 = vector.shape_cast %swap3A_662 : vector<16xf32> to vector<16xf32>
      %swap3A_664 = vector.shape_cast %get3A_656 : vector<16xf32> to vector<16xf32>
      tpu.vector_store %arg7[%swap3A_661], %swap3A_664 {strides = array<i32>} : memref<32768xf32, #tpu.memory_space<vmem>>, vector<16xf32>,
      %get3A_665 = arith.index_cast %add3A_640 : i32 to index
      %get3A_666 = arith.constant 32 : index
      %get3A_667 = tpu.vector_load %arg6[%get3A_665, %get3A_666] {strides = array<i32>} : memref<512x64xf32, #tpu.memory_space<vmem>>, vector<1x16xf32>,
      %get3A_668 = vector.shape_cast %get3A_667 : vector<1x16xf32> to vector<16xf32>
      %mul3A_669 = arith.constant 64 : i32
      %mul3A_670 = arith.muli %add3A_640, %mul3A_669 : i32
      %add3A_671 = arith.constant 32 : i32
      %add3A_672 = arith.addi %mul3A_670, %add3A_671 : i32
      %swap3A_673 = arith.index_cast %add3A_672 : i32 to index
      %swap3A_674 = tpu.vector_load %arg7[%swap3A_673] {strides = array<i32>} : memref<32768xf32, #tpu.memory_space<vmem>>, vector<16xf32>,
      %swap3A_675 = vector.shape_cast %swap3A_674 : vector<16xf32> to vector<16xf32>
      %swap3A_676 = vector.shape_cast %get3A_668 : vector<16xf32> to vector<16xf32>
      tpu.vector_store %arg7[%swap3A_673], %swap3A_676 {strides = array<i32>} : memref<32768xf32, #tpu.memory_space<vmem>>, vector<16xf32>,
      %get3A_677 = arith.index_cast %add3A_640 : i32 to index
      %get3A_678 = arith.constant 48 : index
      %get3A_679 = tpu.vector_load %arg6[%get3A_677, %get3A_678] {strides = array<i32>} : memref<512x64xf32, #tpu.memory_space<vmem>>, vector<1x16xf32>,
      %get3A_680 = vector.shape_cast %get3A_679 : vector<1x16xf32> to vector<16xf32>
      %mul3A_681 = arith.constant 64 : i32
      %mul3A_682 = arith.muli %add3A_640, %mul3A_681 : i32
      %add3A_683 = arith.constant 48 : i32
      %add3A_684 = arith.addi %mul3A_682, %add3A_683 : i32
      %swap3A_685 = arith.index_cast %add3A_684 : i32 to index
      %swap3A_686 = tpu.vector_load %arg7[%swap3A_685] {strides = array<i32>} : memref<32768xf32, #tpu.memory_space<vmem>>, vector<16xf32>,
      %swap3A_687 = vector.shape_cast %swap3A_686 : vector<16xf32> to vector<16xf32>
      %swap3A_688 = vector.shape_cast %get3A_680 : vector<16xf32> to vector<16xf32>
      tpu.vector_store %arg7[%swap3A_685], %swap3A_688 {strides = array<i32>} : memref<32768xf32, #tpu.memory_space<vmem>>, vector<16xf32>,
      %mul3A_689 = arith.constant 16 : i32
      %mul3A_690 = arith.muli %scan3A_14, %mul3A_689 : i32
      %add3A_691 = arith.constant 13 : i32
      %add3A_692 = arith.addi %mul3A_690, %add3A_691 : i32
      %get3A_693 = arith.index_cast %add3A_692 : i32 to index
      %get3A_694 = arith.constant 0 : index
      %get3A_695 = tpu.vector_load %arg6[%get3A_693, %get3A_694] {strides = array<i32>} : memref<512x64xf32, #tpu.memory_space<vmem>>, vector<1x16xf32>,
      %get3A_696 = vector.shape_cast %get3A_695 : vector<1x16xf32> to vector<16xf32>
      %mul3A_697 = arith.constant 64 : i32
      %mul3A_698 = arith.muli %add3A_692, %mul3A_697 : i32
      %add3A_699 = arith.constant 0 : i32
      %add3A_700 = arith.addi %mul3A_698, %add3A_699 : i32
      %swap3A_701 = arith.index_cast %add3A_700 : i32 to index
      %swap3A_702 = tpu.vector_load %arg7[%swap3A_701] {strides = array<i32>} : memref<32768xf32, #tpu.memory_space<vmem>>, vector<16xf32>,
      %swap3A_703 = vector.shape_cast %swap3A_702 : vector<16xf32> to vector<16xf32>
      %swap3A_704 = vector.shape_cast %get3A_696 : vector<16xf32> to vector<16xf32>
      tpu.vector_store %arg7[%swap3A_701], %swap3A_704 {strides = array<i32>} : memref<32768xf32, #tpu.memory_space<vmem>>, vector<16xf32>,
      %get3A_705 = arith.index_cast %add3A_692 : i32 to index
      %get3A_706 = arith.constant 16 : index
      %get3A_707 = tpu.vector_load %arg6[%get3A_705, %get3A_706] {strides = array<i32>} : memref<512x64xf32, #tpu.memory_space<vmem>>, vector<1x16xf32>,
      %get3A_708 = vector.shape_cast %get3A_707 : vector<1x16xf32> to vector<16xf32>
      %mul3A_709 = arith.constant 64 : i32
      %mul3A_710 = arith.muli %add3A_692, %mul3A_709 : i32
      %add3A_711 = arith.constant 16 : i32
      %add3A_712 = arith.addi %mul3A_710, %add3A_711 : i32
      %swap3A_713 = arith.index_cast %add3A_712 : i32 to index
      %swap3A_714 = tpu.vector_load %arg7[%swap3A_713] {strides = array<i32>} : memref<32768xf32, #tpu.memory_space<vmem>>, vector<16xf32>,
      %swap3A_715 = vector.shape_cast %swap3A_714 : vector<16xf32> to vector<16xf32>
      %swap3A_716 = vector.shape_cast %get3A_708 : vector<16xf32> to vector<16xf32>
      tpu.vector_store %arg7[%swap3A_713], %swap3A_716 {strides = array<i32>} : memref<32768xf32, #tpu.memory_space<vmem>>, vector<16xf32>,
      %get3A_717 = arith.index_cast %add3A_692 : i32 to index
      %get3A_718 = arith.constant 32 : index
      %get3A_719 = tpu.vector_load %arg6[%get3A_717, %get3A_718] {strides = array<i32>} : memref<512x64xf32, #tpu.memory_space<vmem>>, vector<1x16xf32>,
      %get3A_720 = vector.shape_cast %get3A_719 : vector<1x16xf32> to vector<16xf32>
      %mul3A_721 = arith.constant 64 : i32
      %mul3A_722 = arith.muli %add3A_692, %mul3A_721 : i32
      %add3A_723 = arith.constant 32 : i32
      %add3A_724 = arith.addi %mul3A_722, %add3A_723 : i32
      %swap3A_725 = arith.index_cast %add3A_724 : i32 to index
      %swap3A_726 = tpu.vector_load %arg7[%swap3A_725] {strides = array<i32>} : memref<32768xf32, #tpu.memory_space<vmem>>, vector<16xf32>,
      %swap3A_727 = vector.shape_cast %swap3A_726 : vector<16xf32> to vector<16xf32>
      %swap3A_728 = vector.shape_cast %get3A_720 : vector<16xf32> to vector<16xf32>
      tpu.vector_store %arg7[%swap3A_725], %swap3A_728 {strides = array<i32>} : memref<32768xf32, #tpu.memory_space<vmem>>, vector<16xf32>,
      %get3A_729 = arith.index_cast %add3A_692 : i32 to index
      %get3A_730 = arith.constant 48 : index
      %get3A_731 = tpu.vector_load %arg6[%get3A_729, %get3A_730] {strides = array<i32>} : memref<512x64xf32, #tpu.memory_space<vmem>>, vector<1x16xf32>,
      %get3A_732 = vector.shape_cast %get3A_731 : vector<1x16xf32> to vector<16xf32>
      %mul3A_733 = arith.constant 64 : i32
      %mul3A_734 = arith.muli %add3A_692, %mul3A_733 : i32
      %add3A_735 = arith.constant 48 : i32
      %add3A_736 = arith.addi %mul3A_734, %add3A_735 : i32
      %swap3A_737 = arith.index_cast %add3A_736 : i32 to index
      %swap3A_738 = tpu.vector_load %arg7[%swap3A_737] {strides = array<i32>} : memref<32768xf32, #tpu.memory_space<vmem>>, vector<16xf32>,
      %swap3A_739 = vector.shape_cast %swap3A_738 : vector<16xf32> to vector<16xf32>
      %swap3A_740 = vector.shape_cast %get3A_732 : vector<16xf32> to vector<16xf32>
      tpu.vector_store %arg7[%swap3A_737], %swap3A_740 {strides = array<i32>} : memref<32768xf32, #tpu.memory_space<vmem>>, vector<16xf32>,
      %mul3A_741 = arith.constant 16 : i32
      %mul3A_742 = arith.muli %scan3A_14, %mul3A_741 : i32
      %add3A_743 = arith.constant 14 : i32
      %add3A_744 = arith.addi %mul3A_742, %add3A_743 : i32
      %get3A_745 = arith.index_cast %add3A_744 : i32 to index
      %get3A_746 = arith.constant 0 : index
      %get3A_747 = tpu.vector_load %arg6[%get3A_745, %get3A_746] {strides = array<i32>} : memref<512x64xf32, #tpu.memory_space<vmem>>, vector<1x16xf32>,
      %get3A_748 = vector.shape_cast %get3A_747 : vector<1x16xf32> to vector<16xf32>
      %mul3A_749 = arith.constant 64 : i32
      %mul3A_750 = arith.muli %add3A_744, %mul3A_749 : i32
      %add3A_751 = arith.constant 0 : i32
      %add3A_752 = arith.addi %mul3A_750, %add3A_751 : i32
      %swap3A_753 = arith.index_cast %add3A_752 : i32 to index
      %swap3A_754 = tpu.vector_load %arg7[%swap3A_753] {strides = array<i32>} : memref<32768xf32, #tpu.memory_space<vmem>>, vector<16xf32>,
      %swap3A_755 = vector.shape_cast %swap3A_754 : vector<16xf32> to vector<16xf32>
      %swap3A_756 = vector.shape_cast %get3A_748 : vector<16xf32> to vector<16xf32>
      tpu.vector_store %arg7[%swap3A_753], %swap3A_756 {strides = array<i32>} : memref<32768xf32, #tpu.memory_space<vmem>>, vector<16xf32>,
      %get3A_757 = arith.index_cast %add3A_744 : i32 to index
      %get3A_758 = arith.constant 16 : index
      %get3A_759 = tpu.vector_load %arg6[%get3A_757, %get3A_758] {strides = array<i32>} : memref<512x64xf32, #tpu.memory_space<vmem>>, vector<1x16xf32>,
      %get3A_760 = vector.shape_cast %get3A_759 : vector<1x16xf32> to vector<16xf32>
      %mul3A_761 = arith.constant 64 : i32
      %mul3A_762 = arith.muli %add3A_744, %mul3A_761 : i32
      %add3A_763 = arith.constant 16 : i32
      %add3A_764 = arith.addi %mul3A_762, %add3A_763 : i32
      %swap3A_765 = arith.index_cast %add3A_764 : i32 to index
      %swap3A_766 = tpu.vector_load %arg7[%swap3A_765] {strides = array<i32>} : memref<32768xf32, #tpu.memory_space<vmem>>, vector<16xf32>,
      %swap3A_767 = vector.shape_cast %swap3A_766 : vector<16xf32> to vector<16xf32>
      %swap3A_768 = vector.shape_cast %get3A_760 : vector<16xf32> to vector<16xf32>
      tpu.vector_store %arg7[%swap3A_765], %swap3A_768 {strides = array<i32>} : memref<32768xf32, #tpu.memory_space<vmem>>, vector<16xf32>,
      %get3A_769 = arith.index_cast %add3A_744 : i32 to index
      %get3A_770 = arith.constant 32 : index
      %get3A_771 = tpu.vector_load %arg6[%get3A_769, %get3A_770] {strides = array<i32>} : memref<512x64xf32, #tpu.memory_space<vmem>>, vector<1x16xf32>,
      %get3A_772 = vector.shape_cast %get3A_771 : vector<1x16xf32> to vector<16xf32>
      %mul3A_773 = arith.constant 64 : i32
      %mul3A_774 = arith.muli %add3A_744, %mul3A_773 : i32
      %add3A_775 = arith.constant 32 : i32
      %add3A_776 = arith.addi %mul3A_774, %add3A_775 : i32
      %swap3A_777 = arith.index_cast %add3A_776 : i32 to index
      %swap3A_778 = tpu.vector_load %arg7[%swap3A_777] {strides = array<i32>} : memref<32768xf32, #tpu.memory_space<vmem>>, vector<16xf32>,
      %swap3A_779 = vector.shape_cast %swap3A_778 : vector<16xf32> to vector<16xf32>
      %swap3A_780 = vector.shape_cast %get3A_772 : vector<16xf32> to vector<16xf32>
      tpu.vector_store %arg7[%swap3A_777], %swap3A_780 {strides = array<i32>} : memref<32768xf32, #tpu.memory_space<vmem>>, vector<16xf32>,
      %get3A_781 = arith.index_cast %add3A_744 : i32 to index
      %get3A_782 = arith.constant 48 : index
      %get3A_783 = tpu.vector_load %arg6[%get3A_781, %get3A_782] {strides = array<i32>} : memref<512x64xf32, #tpu.memory_space<vmem>>, vector<1x16xf32>,
      %get3A_784 = vector.shape_cast %get3A_783 : vector<1x16xf32> to vector<16xf32>
      %mul3A_785 = arith.constant 64 : i32
      %mul3A_786 = arith.muli %add3A_744, %mul3A_785 : i32
      %add3A_787 = arith.constant 48 : i32
      %add3A_788 = arith.addi %mul3A_786, %add3A_787 : i32
      %swap3A_789 = arith.index_cast %add3A_788 : i32 to index
      %swap3A_790 = tpu.vector_load %arg7[%swap3A_789] {strides = array<i32>} : memref<32768xf32, #tpu.memory_space<vmem>>, vector<16xf32>,
      %swap3A_791 = vector.shape_cast %swap3A_790 : vector<16xf32> to vector<16xf32>
      %swap3A_792 = vector.shape_cast %get3A_784 : vector<16xf32> to vector<16xf32>
      tpu.vector_store %arg7[%swap3A_789], %swap3A_792 {strides = array<i32>} : memref<32768xf32, #tpu.memory_space<vmem>>, vector<16xf32>,
      %mul3A_793 = arith.constant 16 : i32
      %mul3A_794 = arith.muli %scan3A_14, %mul3A_793 : i32
      %add3A_795 = arith.constant 15 : i32
      %add3A_796 = arith.addi %mul3A_794, %add3A_795 : i32
      %get3A_797 = arith.index_cast %add3A_796 : i32 to index
      %get3A_798 = arith.constant 0 : index
      %get3A_799 = tpu.vector_load %arg6[%get3A_797, %get3A_798] {strides = array<i32>} : memref<512x64xf32, #tpu.memory_space<vmem>>, vector<1x16xf32>,
      %get3A_800 = vector.shape_cast %get3A_799 : vector<1x16xf32> to vector<16xf32>
      %mul3A_801 = arith.constant 64 : i32
      %mul3A_802 = arith.muli %add3A_796, %mul3A_801 : i32
      %add3A_803 = arith.constant 0 : i32
      %add3A_804 = arith.addi %mul3A_802, %add3A_803 : i32
      %swap3A_805 = arith.index_cast %add3A_804 : i32 to index
      %swap3A_806 = tpu.vector_load %arg7[%swap3A_805] {strides = array<i32>} : memref<32768xf32, #tpu.memory_space<vmem>>, vector<16xf32>,
      %swap3A_807 = vector.shape_cast %swap3A_806 : vector<16xf32> to vector<16xf32>
      %swap3A_808 = vector.shape_cast %get3A_800 : vector<16xf32> to vector<16xf32>
      tpu.vector_store %arg7[%swap3A_805], %swap3A_808 {strides = array<i32>} : memref<32768xf32, #tpu.memory_space<vmem>>, vector<16xf32>,
      %get3A_809 = arith.index_cast %add3A_796 : i32 to index
      %get3A_810 = arith.constant 16 : index
      %get3A_811 = tpu.vector_load %arg6[%get3A_809, %get3A_810] {strides = array<i32>} : memref<512x64xf32, #tpu.memory_space<vmem>>, vector<1x16xf32>,
      %get3A_812 = vector.shape_cast %get3A_811 : vector<1x16xf32> to vector<16xf32>
      %mul3A_813 = arith.constant 64 : i32
      %mul3A_814 = arith.muli %add3A_796, %mul3A_813 : i32
      %add3A_815 = arith.constant 16 : i32
      %add3A_816 = arith.addi %mul3A_814, %add3A_815 : i32
      %swap3A_817 = arith.index_cast %add3A_816 : i32 to index
      %swap3A_818 = tpu.vector_load %arg7[%swap3A_817] {strides = array<i32>} : memref<32768xf32, #tpu.memory_space<vmem>>, vector<16xf32>,
      %swap3A_819 = vector.shape_cast %swap3A_818 : vector<16xf32> to vector<16xf32>
      %swap3A_820 = vector.shape_cast %get3A_812 : vector<16xf32> to vector<16xf32>
      tpu.vector_store %arg7[%swap3A_817], %swap3A_820 {strides = array<i32>} : memref<32768xf32, #tpu.memory_space<vmem>>, vector<16xf32>,
      %get3A_821 = arith.index_cast %add3A_796 : i32 to index
      %get3A_822 = arith.constant 32 : index
      %get3A_823 = tpu.vector_load %arg6[%get3A_821, %get3A_822] {strides = array<i32>} : memref<512x64xf32, #tpu.memory_space<vmem>>, vector<1x16xf32>,
      %get3A_824 = vector.shape_cast %get3A_823 : vector<1x16xf32> to vector<16xf32>
      %mul3A_825 = arith.constant 64 : i32
      %mul3A_826 = arith.muli %add3A_796, %mul3A_825 : i32
      %add3A_827 = arith.constant 32 : i32
      %add3A_828 = arith.addi %mul3A_826, %add3A_827 : i32
      %swap3A_829 = arith.index_cast %add3A_828 : i32 to index
      %swap3A_830 = tpu.vector_load %arg7[%swap3A_829] {strides = array<i32>} : memref<32768xf32, #tpu.memory_space<vmem>>, vector<16xf32>,
      %swap3A_831 = vector.shape_cast %swap3A_830 : vector<16xf32> to vector<16xf32>
      %swap3A_832 = vector.shape_cast %get3A_824 : vector<16xf32> to vector<16xf32>
      tpu.vector_store %arg7[%swap3A_829], %swap3A_832 {strides = array<i32>} : memref<32768xf32, #tpu.memory_space<vmem>>, vector<16xf32>,
      %get3A_833 = arith.index_cast %add3A_796 : i32 to index
      %get3A_834 = arith.constant 48 : index
      %get3A_835 = tpu.vector_load %arg6[%get3A_833, %get3A_834] {strides = array<i32>} : memref<512x64xf32, #tpu.memory_space<vmem>>, vector<1x16xf32>,
      %get3A_836 = vector.shape_cast %get3A_835 : vector<1x16xf32> to vector<16xf32>
      %mul3A_837 = arith.constant 64 : i32
      %mul3A_838 = arith.muli %add3A_796, %mul3A_837 : i32
      %add3A_839 = arith.constant 48 : i32
      %add3A_840 = arith.addi %mul3A_838, %add3A_839 : i32
      %swap3A_841 = arith.index_cast %add3A_840 : i32 to index
      %swap3A_842 = tpu.vector_load %arg7[%swap3A_841] {strides = array<i32>} : memref<32768xf32, #tpu.memory_space<vmem>>, vector<16xf32>,
      %swap3A_843 = vector.shape_cast %swap3A_842 : vector<16xf32> to vector<16xf32>
      %swap3A_844 = vector.shape_cast %get3A_836 : vector<16xf32> to vector<16xf32>
      tpu.vector_store %arg7[%swap3A_841], %swap3A_844 {strides = array<i32>} : memref<32768xf32, #tpu.memory_space<vmem>>, vector<16xf32>,
    }
    %scan3A_11 = arith.constant 32 : i32
    %mul3A_12 = arith.constant 64 : i32
    %mul3A_13 = arith.muli %mul3A_2, %mul3A_12 : i32
    "tpu.region"() ({
      %run_scoped3A = tpu.sem_alloc : memref<!tpu.dma_semaphore, #tpu.memory_space<semaphore_mem>>
      %dma_start3A_14 = tpu.memref_slice %arg4[%mul3A_13] : memref<1048576xf32, #tpu.memory_space<hbm>> -> memref<32768xf32, #tpu.memory_space<hbm>>
      %dma_start3A_15 = tpu.memref_slice %arg4[%mul3A_13] : memref<1048576xf32, #tpu.memory_space<hbm>> -> memref<32768xf32, #tpu.memory_space<hbm>>
      tpu.enqueue_dma source(%arg7 : memref<32768xf32, #tpu.memory_space<vmem>>) target(%dma_start3A_15 : memref<32768xf32, #tpu.memory_space<hbm>>) target_semaphore(%run_scoped3A : memref<!tpu.dma_semaphore, #tpu.memory_space<semaphore_mem>>)
      %dma_wait3A_16 = tpu.memref_slice %arg4[%mul3A_13] : memref<1048576xf32, #tpu.memory_space<hbm>> -> memref<32768xf32, #tpu.memory_space<hbm>>
      %dma_wait3A_17 = tpu.memref_slice %arg4[%mul3A_13] : memref<1048576xf32, #tpu.memory_space<hbm>> -> memref<32768xf32, #tpu.memory_space<hbm>>
      tpu.wait_dma2 semaphore(%run_scoped3A : memref<!tpu.dma_semaphore, #tpu.memory_space<semaphore_mem>>) src(%arg7 : memref<32768xf32, #tpu.memory_space<vmem>>) dst(%dma_wait3A_17 : memref<32768xf32, #tpu.memory_space<hbm>>)
      tpu.yield
    }) : () -> ()
    return
  }
}

</mosaic_0001>

<sc_bundles>
// kernel: kernel.3.cloned.1.call-start
scs
__scs_entry_jumppad:
0x0: {  	(pc) =	sbr.rel $0x88, $3  }
0x1: {  	(tag) =	ssettag $0x0;
	lr =	simm.s32 $0x1  }
0x2: {  	[smem:$0x3F9F] =	sst lr;
	_ =	strace $0xD0000000  }
0x3: {  	_ = 	snop  }
0x4: {  	_ = 	snop  }
0x5: {  	_ = 	snop  }
0x6: {  	_ = 	snop  }
0x7: {  	_ = 	snop  }
__scs_overlays_trampoline_lowered:
0x8: {  	[smem:$0x3FAE] =	sst s0  }
0x9: {  	[smem:$0x3FAF] =	sst s1  }
0xa: {  	[smem:$0x3FB0] =	sst s2  }
0xb: {  	[smem:$0x3FB1] =	sst s3  }
0xc: {  	[smem:$0x3FB2] =	sst s4  }
0xd: {  	[smem:$0x3FB3] =	sst s5  }
0xe: {  	[smem:$0x3FB4] =	sst s6  }
0xf: {  	[smem:$0x3FB5] =	sst s7  }
0x10: {  	[smem:$0x3FB6] =	sst s8  }
0x11: {  	[smem:$0x3FB7] =	sst s9;
	s0 =	simm.s32 @!p0 $0x0  }
0x12: {  	s1 =	sld [smem:$0x3F9D];
	s0 =	simm.s32 @p0 $0x1  }
0x13: {  	[smem:$0x3FB8] =	sst s0;
	s0 =	simm.s32 @!p1 $0x0  }
0x14: {  	s2 =	sld [smem:$0x3F9C];
	s0 =	simm.s32 @p1 $0x1  }
0x15: {  	[smem:$0x3FB9] =	sst s0;
	s0 =	simm.s32 @!p2 $0x0  }
0x16: {  	s3 =	sld [smem:$0x3FDB];
	s0 =	simm.s32 @p2 $0x1  }
0x17: {  	s4 =	simm.s32 $0x1BF5;
	[smem:$0x3FBB] =	sst s0  }
0x18: {  	s0 =	sld [smem:$0x3F9E];
	_ =	swait.ge [sflag:s4], $0x0  }
0x19: {  	s7 =	sld [smem:$0x3F9F]  }
0x1a: {  	s8 =	sadd.s32 $0xFFFFE003, lr  }
0x1b: {  	s9 =	sadd.s32 $0xFFFFFEF7, lr;
	s5 =	simm.s32 $0xFFFFFFFF;
	p2 =	slt.u32 s8, $0xFFFFF086  }
0x1c: {  	p1 =	slt.u32 s9, $0xF7A;
	s5 =	simm.s32 @!p2 $0x0  }
0x1d: {  	s5 =	simm.s32 @p1 $0x1;
	p0 =	seq.s32 s7, s2  }
0x1e: {  	s7 =	smul.u32 @!p0 $0xF7A, s2;
	p2 =	seq.s32 @!p0 s5, $0x0  }
0x1f: {  	s9 =	smul.u32 $0xF7A, s1;
	s8 =	simm.s32 @!p0 $0x1BF5;
	p2 =	por !p2, p0  }
0x20: {  	[sflag:s8] =	ssyncset.s32 @!p0 $0xFFFFF086;
	s6 =	sadd.s32 @!p0 s3, s7;
	s7 =	simm.s32 @!p0 $0x108  }
0x21: {  	s3 =	sadd.s32 s3, s9;
	s6 =	sadd.s32 @!p0 $0x88, s6;
	s7 =	simm.s32 @p2 $0x1082  }
0x22: {  	[simem:s7], [sflag:s8] =	dma.local @!p0 [hbm:s6], $0xF7A  }
0x23: {  	s9 =	sor.u32 $0xD0000000, s2;
	s6 =	simm.s32 $0x108;
	_ =	swait.ge @!p0 [sflag:s8], $0x0  }
0x24: {  	s3 =	sadd.s32 $0x88, s3;
	s6 =	simm.s32 @!p1 $0x1082;
	[sflag:s4] =	ssyncset.s32 $0xFFFFF086  }
0x25: {  	[simem:s6], [sflag:s4] =	dma.local [hbm:s3], $0xF7A  }
0x26: {  	[smem:$0x3F9F] =	sst s1;
	(tag) =	ssettag s2;
	_ =	strace s9  }
0x27: {  	s1 =	sld [smem:$0x3FAF]  }
0x28: {  	s2 =	sld [smem:$0x3FB0]  }
0x29: {  	s4 =	sld [smem:$0x3FB2]  }
0x2a: {  	p0 =	seq.s32 s5, $0x0;
	s5 =	sld [smem:$0x3FB3]  }
0x2b: {  	s6 =	sld [smem:$0x3FB4]  }
0x2c: {  	s7 =	sld [smem:$0x3FB5]  }
0x2d: {  	s3 =	simm.s32 $0x108;
	s8 =	sld [smem:$0x3FB6]  }
0x2e: {  	s3 =	simm.s32 @!p0 $0x1082;
	s9 =	sld [smem:$0x3FB7]  }
0x2f: {  	lr =	sadd.s32 s0, s3;
	s0 =	sld [smem:$0x3FAE]  }
0x30: {  	s3 =	sld [smem:$0x3FB1]  }
0x31: {  	[smem:$0x3FBA] =	sst s10  }
0x32: {  	s10 =	sld [smem:$0x3FB8];
	_ =	sdelay $0x3  }
0x33: {  	p0 =	seq.s32 s10, $0x1;
	s10 =	sld [smem:$0x3FBA];
	_ =	sdelay $0x3  }
0x34: {  	[smem:$0x3FBA] =	sst s10  }
0x35: {  	s10 =	sld [smem:$0x3FB9];
	_ =	sdelay $0x3  }
0x36: {  	p1 =	seq.s32 s10, $0x1;
	s10 =	sld [smem:$0x3FBA];
	_ =	sdelay $0x3  }
0x37: {  	[smem:$0x3FBA] =	sst s10  }
0x38: {  	s10 =	sld [smem:$0x3FBB]  }
0x39: {  	_ = 	snop;
	(pc) =	sbr.ind lr, $3  }
0x3a: {  	_ = 	snop  }
0x3b: {  	_ = 	snop  }
0x3c: {  	p2 =	seq.s32 s10, $0x1;
	s10 =	sld [smem:$0x3FBA]  }
0x3d: {  	_ =	shalt  }
0x3e: {  	_ =	shalt  }
0x3f: {  	_ =	shalt  }
0x40: {  	_ =	shalt  }
0x41: {  	_ =	shalt  }
0x42: {  	_ =	shalt  }
0x43: {  	_ =	shalt  }
0x44: {  	_ =	shalt  }
0x45: {  	_ =	shalt  }
0x46: {  	_ =	shalt  }
0x47: {  	_ =	shalt  }
0x48: {  	_ =	shalt  }
0x49: {  	_ =	shalt  }
0x4a: {  	_ =	shalt  }
0x4b: {  	_ =	shalt  }
0x4c: {  	_ =	shalt  }
0x4d: {  	_ =	shalt  }
0x4e: {  	_ =	shalt  }
0x4f: {  	_ =	shalt  }
0x50: {  	_ =	shalt  }
0x51: {  	_ =	shalt  }
0x52: {  	_ =	shalt  }
0x53: {  	_ =	shalt  }
0x54: {  	_ =	shalt  }
0x55: {  	_ =	shalt  }
0x56: {  	_ =	shalt  }
0x57: {  	_ =	shalt  }
0x58: {  	_ =	shalt  }
0x59: {  	_ =	shalt  }
0x5a: {  	_ =	shalt  }
0x5b: {  	_ =	shalt  }
0x5c: {  	_ =	shalt  }
0x5d: {  	_ =	shalt  }
0x5e: {  	_ =	shalt  }
0x5f: {  	_ =	shalt  }
0x60: {  	_ =	shalt  }
0x61: {  	_ =	shalt  }
0x62: {  	_ =	shalt  }
0x63: {  	_ =	shalt  }
0x64: {  	_ =	shalt  }
0x65: {  	_ =	shalt  }
0x66: {  	_ =	shalt  }
0x67: {  	_ =	shalt  }
0x68: {  	_ =	shalt  }
0x69: {  	_ =	shalt  }
0x6a: {  	_ =	shalt  }
0x6b: {  	_ =	shalt  }
0x6c: {  	_ =	shalt  }
0x6d: {  	_ =	shalt  }
0x6e: {  	_ =	shalt  }
0x6f: {  	_ =	shalt  }
0x70: {  	_ =	shalt  }
0x71: {  	_ =	shalt  }
0x72: {  	_ =	shalt  }
0x73: {  	_ =	shalt  }
0x74: {  	_ =	shalt  }
0x75: {  	_ =	shalt  }
0x76: {  	_ =	shalt  }
0x77: {  	_ =	shalt  }
0x78: {  	_ =	shalt  }
0x79: {  	_ =	shalt  }
0x7a: {  	_ =	shalt  }
0x7b: {  	_ =	shalt  }
0x7c: {  	_ =	shalt  }
0x7d: {  	_ =	shalt  }
0x7e: {  	_ =	shalt  }
0x7f: {  	_ =	shalt  }
0x80: {  	_ =	shalt  }
0x81: {  	_ =	shalt  }
0x82: {  	_ =	shalt  }
0x83: {  	_ =	shalt  }
0x84: {  	_ =	shalt  }
0x85: {  	_ =	shalt  }
0x86: {  	_ =	shalt  }
0x87: {  	_ =	shalt  }
.Lfunc_end0:
.L_simem_size_0:
called_computation_lowered:
.L_overlay_start_0:
0x88: {  	s2 =	sld [smem:$0x3FD9]  }
0x89: {  	s3 =	sld [smem:$0x3FFE];
	_ =	sdelay $0x1  }
0x8a: {  	s1 =	srdreg.scid  }
0x8b: {  	s0 =	sand.u32 $0x1, s1  }
0x8c: {  	s17 =	sshll.u32 s0, $0xA;
	s2 =	sadd.s32 s3, s2  }
0x8d: {  	s2 =	sadd.s32 s2, s17  }
0x8e: {  	[smem:$0x3FC6] =	sst s2  }
0x8f: {  	_ = 	snop  }
0x90: {  	s2 =	sld [smem:$0x3FC9]  }
0x91: {  	s18 =	sld [smem:$0x3FD0];
	(tm) =	ssettm $0x1  }
0x92: {  	s4 =	sld [smem:$0x3FFB];
	_ =	sdelay $0x3  }
0x93: {  	_ =	strace s4  }
0x94: {  	s4 =	sld [smem:$0x3FFC];
	_ =	sdelay $0x3  }
0x95: {  	_ =	strace s4  }
0x96: {  	s4 =	sld [smem:$0x3FFD];
	_ =	sdelay $0x3  }
0x97: {  	_ =	strace s4  }
0x98: {  	_ =	strace $0x8FFFFFFF  }
0x99: {  	s19 =	sld [smem:$0x3FDB];
	_ =	sdelay $0x1  }
0x9a: {  	s5 =	simm.s32 $_scs_section_size  }
0x9b: {  	s6 =	simm.s32 $_size__tile_overlayer_lowered;
	s7 =	simm.s32 $_tile_overlayer_lowered  }
0x9c: {  	s22 =	simm.s32 $0x1BFF;
	s21 =	sshll.u32 s7, $0x1;
	s4 =	sadd.s32 s5, s19  }
0x9d: {  	s8 =	simm.s32 $0x0;
	s20 =	sshll.u32 s6, $0x1;
	s6 =	sadd.s32 s21, s4  }
0x9e: {  	[timem:s8], [sflag:s22] =	dma.local [hbm:s6], s20  }
0x9f: {  	_ =	swait.ge [sflag:s22], s20  }
0xa0: {  	s5 =	ssub.s32 $0x0, s20;
	[sflag:s22] =	ssyncset.done $0x0  }
0xa1: {  	[sflag:s22] =	ssyncadd.s32 s5;
	_ =	sdelay $0x1  }
0xa2: {  	s23 =	simm.s32 $0x1B8B  }
0xa3: {  	_ =	swait.ge [sflag:s23], $0x1  }
0xa4: {  	[sflag:s23] =	ssyncset.done $0x0  }
0xa5: {  	s25 =	simm.s32 $0x1B8E;
	s24 =	sld [smem:$0x3FFE];
	[sflag:s23] =	ssyncadd.s32 $0xFFFFFFFF  }
0xa6: {  	s26 =	simm.s32 $execute0_lowered;
	[smem:$0x3FD2] =	sst s25  }
0xa7: {  	s6 =	sshll.u32 s26, $0x1;
	_ =	strace $0x80000046;
	[dreg:$0x1] =	wrdreg $0xFFFFFFFF  }
0xa8: {  	s28 =	simm.s32 $_size_execute0_lowered;
	s4 =	sadd.s32 s4, s6;
	[dreg:$0x0] =	wrdreg $0x0  }
0xa9: {  	s6 =	sshll.u32 s28, $0x1;
	[dreg:$0x2] =	wrdreg s4  }
0xaa: {  	[dreg:$0x3] =	wrdreg s6  }
0xab: {  	[dreg:$0x4] =	wrdreg $0xC0  }
0xac: {  	_ =	task [dreg:s8], $0x5FFFF  }
0xad: {  	[dreg:$0x1] =	wrdreg $0xFFFFFFFF  }
0xae: {  	[dreg:$0x0] =	wrdreg $0x60  }
0xaf: {  	[dreg:$0x2] =	wrdreg s24  }
0xb0: {  	[dreg:$0x3] =	wrdreg s2  }
0xb1: {  	[dreg:$0x4] =	wrdreg s18  }
0xb2: {  	[dreg:$0x5] =	wrdreg $0x9  }
0xb3: {  	_ =	task.clear_ibuf [dreg:s8], $0x6FFFF;
	_ =	strace $0x90000046  }
0xb4: {  	s29 =	simm.s32 $0x9;
	_ =	strace $0x80000048  }
0xb5: {  	_ =	swait.ge [sflag:s29], $0x1  }
0xb6: {  	[sflag:s29] =	ssyncadd.s32 $0xFFFFFFFF  }
0xb7: {  	_ =	strace $0x90000048  }
0xb8: {  	_ =	sfence  }
0xb9: {  	s30 =	sld [smem:$0x0];
	_ =	sdelay $0x2  }
0xba: {  	s31 =	sshll.u32 s1, $0xD;
	s1 =	sshrl.u32 s1, $0x2  }
0xbb: {  	s3 =	sand.u32 $0x4000, s31;
	s1 =	sadd.s32 s1, s30  }
0xbc: {  	s0 =	sor.u32 s3, s0;
	s1 =	sshll.u32 s1, $0x11  }
0xbd: {  	s0 =	sor.u32 s1, s0  }
0xbe: {  	s0 =	sadd.s32 $0x8F2B, s0  }
0xbf: {  	[sflag:s0] =	ssyncadd.remote.s32 $0x1  }
0xc0: {  	_ =	sfence.sel $0xFFFF  }
0xc1: {  	[dreg:$0x0] =	wrdreg $0xFFFFFFFF;
	(pc) =	sbr.abs _section_cstart, $3  }
0xc2: {  	[dreg:$0x1] =	wrdreg $0xFFFFFFFF  }
0xc3: {  	_ =	task.clear_ibuf [dreg:s8], $0x2FFFF;
	_ =	strace $0x9FFFFFFF  }
0xc4: {  	(tm) =	ssettm $0x7FFFFFFF  }
0xc5: {  	_ =	shalt  }
tec
execute0_lowered:
.L_overlay_start_1:
0x0: {  	(tag) =	ssettag $0x1  }
0x1: {  	s3 =	rddreg [dreg:$0x0]  }
0x2: {  	s4 =	rddreg [dreg:$0x1]  }
0x3: {  	s5 =	rddreg [dreg:$0x2]  }
0x4: {  	s0 =	rddreg [dreg:$0x3];
	s2 =	simm.s32 $0x0  }
0x5: {  	s6 =	srdreg.scid;
	s1 =	stileid.u32;
	s10 =	simm.s32 $0x8200  }
0x6: {  	s11 =	simm.s32 $0x0;
	[smem:$0x7FF] =	sst s2;
	s6 =	sand.u32 $0x1, s6  }
0x7: {  	s7 =	sshll.u32 s1, $0x1;
	s3 =	sadd.s32 $0xF42800, s3;
	s8 =	ssub.s32 $0x2, s6  }
0x8: {  	_ =	strace $0x80000047;
	s6 =	sor.u32 s6, s7;
	s31 =	sshrl.u32 s8, $0x1  }
0x9: {  	s9 =	sshll.u32 s6, $0x6;
	s6 =	sshll.u32 s6, $0xC;
	s7 =	ssub.s32 s8, s31  }
0xa: {  	s4 =	sadd.s32 s4, s9;
	s5 =	sadd.s32 s5, s6;
	s8 =	simm.s32 $0x200  }
0xb: {  	s9 =	simm.s32 $0x1;
	s6 =	smax.u32 s7, $0x1;
	s7 =	simm.s32 $0x2  }
.LBB2_1:
0xc: {  	[tilespmem:s2], [sflag:$0x2] =	stream.linear.gather [hbm4b:s4+s2], $0x200, $0x38;
	[tilespmem:$0x10200] =	vst v63  }
0xd: {  	_ =	swait.ge [sflag:s7], $0x200  }
0xe: {  	[sflag:s7] =	ssyncset.done $0x0  }
0xf: {  	[sflag:s7] =	ssyncadd.s32 $0xFFFFFE00  }
0x10: {  	[tilespmem:s8], [sflag:$0x1] =	stream.indirect.gather [hbm4b:s3+s8], $0x40, s2, s8, $0xb8;
	[tilespmem:$0x10200] =	vst v63  }
0x11: {  	_ =	swait.ge [sflag:s9], $0x8000  }
0x12: {  	[sflag:s9] =	ssyncset.done $0x0  }
0x13: {  	s12 =	simm.s32 $0x0;
	[sflag:s9] =	ssyncadd.s32 $0xFFFF8000  }
0x14: {  	v0 =	vld [tilespmem:s12+$0x5F0]  }
0x15: {  	v1 =	vld [tilespmem:s12+$0x200]  }
0x16: {  	v2 =	vld [tilespmem:s12+$0x210]  }
0x17: {  	v3 =	vld [tilespmem:s12+$0x220]  }
0x18: {  	v4 =	vld [tilespmem:s12+$0x230]  }
0x19: {  	v5 =	vld [tilespmem:s12+$0x240];
	[tilespmem:s12+$0x85F0] =	vst v0  }
0x1a: {  	v6 =	vld [tilespmem:s12+$0x580];
	[tilespmem:s12+$0x8200] =	vst v1  }
0x1b: {  	v7 =	vld [tilespmem:s12+$0x590];
	[tilespmem:s12+$0x8210] =	vst v2  }
0x1c: {  	v0 =	vld [tilespmem:s12+$0x250];
	[tilespmem:s12+$0x8220] =	vst v3  }
0x1d: {  	v1 =	vld [tilespmem:s12+$0x260];
	[tilespmem:s12+$0x8230] =	vst v4  }
0x1e: {  	v2 =	vld [tilespmem:s12+$0x270];
	[tilespmem:s12+$0x8240] =	vst v5  }
0x1f: {  	v3 =	vld [tilespmem:s12+$0x280];
	[tilespmem:s12+$0x8580] =	vst v6  }
0x20: {  	v4 =	vld [tilespmem:s12+$0x290];
	[tilespmem:s12+$0x8590] =	vst v7  }
0x21: {  	v5 =	vld [tilespmem:s12+$0x570];
	[tilespmem:s12+$0x8250] =	vst v0  }
0x22: {  	v0 =	vld [tilespmem:s12+$0x2A0];
	[tilespmem:s12+$0x8260] =	vst v1  }
0x23: {  	v1 =	vld [tilespmem:s12+$0x2B0];
	[tilespmem:s12+$0x8270] =	vst v2  }
0x24: {  	v2 =	vld [tilespmem:s12+$0x2C0];
	[tilespmem:s12+$0x8280] =	vst v3  }
0x25: {  	v3 =	vld [tilespmem:s12+$0x2D0];
	[tilespmem:s12+$0x8290] =	vst v4  }
0x26: {  	v4 =	vld [tilespmem:s12+$0x2E0];
	[tilespmem:s12+$0x8570] =	vst v5  }
0x27: {  	[tilespmem:s12+$0x82A0] =	vst v0;
	v0 =	vld [tilespmem:s12+$0x2F0]  }
0x28: {  	[tilespmem:s12+$0x82B0] =	vst v1;
	v1 =	vld [tilespmem:s12+$0x300]  }
0x29: {  	[tilespmem:s12+$0x82C0] =	vst v2;
	v2 =	vld [tilespmem:s12+$0x310]  }
0x2a: {  	[tilespmem:s12+$0x82D0] =	vst v3;
	v3 =	vld [tilespmem:s12+$0x320]  }
0x2b: {  	[tilespmem:s12+$0x82E0] =	vst v4;
	v4 =	vld [tilespmem:s12+$0x330]  }
0x2c: {  	[tilespmem:s12+$0x82F0] =	vst v0;
	v0 =	vld [tilespmem:s12+$0x340]  }
0x2d: {  	[tilespmem:s12+$0x8300] =	vst v1;
	v1 =	vld [tilespmem:s12+$0x350]  }
0x2e: {  	[tilespmem:s12+$0x8310] =	vst v2;
	v2 =	vld [tilespmem:s12+$0x360]  }
0x2f: {  	[tilespmem:s12+$0x8320] =	vst v3;
	v3 =	vld [tilespmem:s12+$0x370]  }
0x30: {  	[tilespmem:s12+$0x8330] =	vst v4;
	v4 =	vld [tilespmem:s12+$0x380]  }
0x31: {  	[tilespmem:s12+$0x8340] =	vst v0;
	v0 =	vld [tilespmem:s12+$0x390]  }
0x32: {  	[tilespmem:s12+$0x8350] =	vst v1;
	v1 =	vld [tilespmem:s12+$0x3A0]  }
0x33: {  	[tilespmem:s12+$0x8360] =	vst v2;
	v2 =	vld [tilespmem:s12+$0x3B0]  }
0x34: {  	[tilespmem:s12+$0x8370] =	vst v3;
	v3 =	vld [tilespmem:s12+$0x3C0]  }
0x35: {  	[tilespmem:s12+$0x8380] =	vst v4;
	v4 =	vld [tilespmem:s12+$0x3D0]  }
0x36: {  	[tilespmem:s12+$0x8390] =	vst v0;
	v0 =	vld [tilespmem:s12+$0x3E0]  }
0x37: {  	[tilespmem:s12+$0x83A0] =	vst v1;
	v1 =	vld [tilespmem:s12+$0x3F0]  }
0x38: {  	[tilespmem:s12+$0x83B0] =	vst v2;
	v2 =	vld [tilespmem:s12+$0x400]  }
0x39: {  	[tilespmem:s12+$0x83C0] =	vst v3;
	v3 =	vld [tilespmem:s12+$0x410]  }
0x3a: {  	[tilespmem:s12+$0x83D0] =	vst v4;
	v4 =	vld [tilespmem:s12+$0x420]  }
0x3b: {  	[tilespmem:s12+$0x83E0] =	vst v0;
	v0 =	vld [tilespmem:s12+$0x430]  }
0x3c: {  	[tilespmem:s12+$0x83F0] =	vst v1;
	v1 =	vld [tilespmem:s12+$0x440]  }
0x3d: {  	[tilespmem:s12+$0x8400] =	vst v2;
	v2 =	vld [tilespmem:s12+$0x450]  }
0x3e: {  	[tilespmem:s12+$0x8410] =	vst v3;
	v3 =	vld [tilespmem:s12+$0x460]  }
0x3f: {  	[tilespmem:s12+$0x8420] =	vst v4;
	v4 =	vld [tilespmem:s12+$0x470]  }
0x40: {  	[tilespmem:s12+$0x8430] =	vst v0;
	v0 =	vld [tilespmem:s12+$0x480]  }
0x41: {  	[tilespmem:s12+$0x8440] =	vst v1;
	v1 =	vld [tilespmem:s12+$0x490]  }
0x42: {  	[tilespmem:s12+$0x8450] =	vst v2;
	v2 =	vld [tilespmem:s12+$0x4A0]  }
0x43: {  	[tilespmem:s12+$0x8460] =	vst v3;
	v3 =	vld [tilespmem:s12+$0x4B0]  }
0x44: {  	[tilespmem:s12+$0x8470] =	vst v4;
	v4 =	vld [tilespmem:s12+$0x4C0]  }
0x45: {  	[tilespmem:s12+$0x8480] =	vst v0;
	v0 =	vld [tilespmem:s12+$0x4D0]  }
0x46: {  	[tilespmem:s12+$0x8490] =	vst v1;
	v1 =	vld [tilespmem:s12+$0x4E0]  }
0x47: {  	[tilespmem:s12+$0x84A0] =	vst v2;
	v2 =	vld [tilespmem:s12+$0x4F0]  }
0x48: {  	[tilespmem:s12+$0x84B0] =	vst v3;
	v3 =	vld [tilespmem:s12+$0x500]  }
0x49: {  	[tilespmem:s12+$0x84C0] =	vst v4;
	v4 =	vld [tilespmem:s12+$0x510]  }
0x4a: {  	[tilespmem:s12+$0x84D0] =	vst v0;
	v0 =	vld [tilespmem:s12+$0x520]  }
0x4b: {  	[tilespmem:s12+$0x84E0] =	vst v1;
	v1 =	vld [tilespmem:s12+$0x530]  }
0x4c: {  	[tilespmem:s12+$0x84F0] =	vst v2;
	v2 =	vld [tilespmem:s12+$0x540]  }
0x4d: {  	[tilespmem:s12+$0x8500] =	vst v3;
	v3 =	vld [tilespmem:s12+$0x550]  }
0x4e: {  	[tilespmem:s12+$0x8510] =	vst v4;
	v4 =	vld [tilespmem:s12+$0x560]  }
0x4f: {  	[tilespmem:s12+$0x8520] =	vst v0;
	v0 =	vld [tilespmem:s12+$0x5A0]  }
0x50: {  	[tilespmem:s12+$0x8530] =	vst v1;
	v1 =	vld [tilespmem:s12+$0x5B0]  }
0x51: {  	[tilespmem:s12+$0x8540] =	vst v2;
	v2 =	vld [tilespmem:s12+$0x5C0]  }
0x52: {  	[tilespmem:s12+$0x8550] =	vst v3;
	v3 =	vld [tilespmem:s12+$0x5D0]  }
0x53: {  	s14 =	simm.s32 $0x400;
	s13 =	simm.s32 $0x2000;
	[tilespmem:s12+$0x8560] =	vst v4;
	v4 =	vld [tilespmem:s12+$0x5E0]  }
.LBB2_2:
0x54: {  	p0 =	sne.s32 s13, $0x1F000;
	v5 =	vld [tilespmem:s14+$0x5F0];
	[tilespmem:s12+$0x85A0] =	vst v0  }
0x55: {  	v0 =	vld [tilespmem:s14+$0x200];
	[tilespmem:s12+$0x85B0] =	vst v1  }
0x56: {  	v1 =	vld [tilespmem:s14+$0x210];
	[tilespmem:s12+$0x85C0] =	vst v2  }
0x57: {  	v2 =	vld [tilespmem:s14+$0x220];
	[tilespmem:s12+$0x85D0] =	vst v3  }
0x58: {  	v3 =	vld [tilespmem:s14+$0x230];
	[tilespmem:s12+$0x85E0] =	vst v4;
	s12 =	smov.u32 s14  }
0x59: {  	v4 =	vld [tilespmem:s12+$0x240];
	[tilespmem:s12+$0x85F0] =	vst v5  }
0x5a: {  	[tilespmem:s12+$0x8200] =	vst v0;
	v0 =	vld [tilespmem:s12+$0x250]  }
0x5b: {  	[tilespmem:s12+$0x8210] =	vst v1;
	v1 =	vld [tilespmem:s12+$0x260]  }
0x5c: {  	[tilespmem:s12+$0x8220] =	vst v2;
	v2 =	vld [tilespmem:s12+$0x270]  }
0x5d: {  	[tilespmem:s12+$0x8230] =	vst v3;
	v3 =	vld [tilespmem:s12+$0x280]  }
0x5e: {  	[tilespmem:s12+$0x8240] =	vst v4;
	v4 =	vld [tilespmem:s12+$0x290]  }
0x5f: {  	[tilespmem:s12+$0x8250] =	vst v0;
	v0 =	vld [tilespmem:s12+$0x2A0]  }
0x60: {  	[tilespmem:s12+$0x8260] =	vst v1;
	v1 =	vld [tilespmem:s12+$0x2B0]  }
0x61: {  	[tilespmem:s12+$0x8270] =	vst v2;
	v2 =	vld [tilespmem:s12+$0x2C0]  }
0x62: {  	[tilespmem:s12+$0x8280] =	vst v3;
	v3 =	vld [tilespmem:s12+$0x2D0]  }
0x63: {  	[tilespmem:s12+$0x8290] =	vst v4;
	v4 =	vld [tilespmem:s12+$0x2E0]  }
0x64: {  	[tilespmem:s12+$0x82A0] =	vst v0;
	v0 =	vld [tilespmem:s12+$0x2F0]  }
0x65: {  	[tilespmem:s12+$0x82B0] =	vst v1;
	v1 =	vld [tilespmem:s12+$0x300]  }
0x66: {  	[tilespmem:s12+$0x82C0] =	vst v2;
	v2 =	vld [tilespmem:s12+$0x310]  }
0x67: {  	[tilespmem:s12+$0x82D0] =	vst v3;
	v3 =	vld [tilespmem:s12+$0x320]  }
0x68: {  	[tilespmem:s12+$0x82E0] =	vst v4;
	v4 =	vld [tilespmem:s12+$0x330]  }
0x69: {  	[tilespmem:s12+$0x82F0] =	vst v0;
	v0 =	vld [tilespmem:s12+$0x340]  }
0x6a: {  	[tilespmem:s12+$0x8300] =	vst v1;
	v1 =	vld [tilespmem:s12+$0x350]  }
0x6b: {  	[tilespmem:s12+$0x8310] =	vst v2;
	v2 =	vld [tilespmem:s12+$0x360]  }
0x6c: {  	[tilespmem:s12+$0x8320] =	vst v3;
	v3 =	vld [tilespmem:s12+$0x370]  }
0x6d: {  	[tilespmem:s12+$0x8330] =	vst v4;
	v4 =	vld [tilespmem:s12+$0x380]  }
0x6e: {  	[tilespmem:s12+$0x8340] =	vst v0;
	v0 =	vld [tilespmem:s12+$0x390]  }
0x6f: {  	[tilespmem:s12+$0x8350] =	vst v1;
	v1 =	vld [tilespmem:s12+$0x3A0]  }
0x70: {  	[tilespmem:s12+$0x8360] =	vst v2;
	v2 =	vld [tilespmem:s12+$0x3B0]  }
0x71: {  	[tilespmem:s12+$0x8370] =	vst v3;
	v3 =	vld [tilespmem:s12+$0x3C0]  }
0x72: {  	[tilespmem:s12+$0x8380] =	vst v4;
	v4 =	vld [tilespmem:s12+$0x3D0]  }
0x73: {  	[tilespmem:s12+$0x8390] =	vst v0;
	v0 =	vld [tilespmem:s12+$0x3E0]  }
0x74: {  	[tilespmem:s12+$0x83A0] =	vst v1;
	v1 =	vld [tilespmem:s12+$0x3F0]  }
0x75: {  	[tilespmem:s12+$0x83B0] =	vst v2;
	v2 =	vld [tilespmem:s12+$0x400]  }
0x76: {  	[tilespmem:s12+$0x83C0] =	vst v3;
	v3 =	vld [tilespmem:s12+$0x410]  }
0x77: {  	[tilespmem:s12+$0x83D0] =	vst v4;
	v4 =	vld [tilespmem:s12+$0x420]  }
0x78: {  	[tilespmem:s12+$0x83E0] =	vst v0;
	v0 =	vld [tilespmem:s12+$0x430]  }
0x79: {  	[tilespmem:s12+$0x83F0] =	vst v1;
	v1 =	vld [tilespmem:s12+$0x440]  }
0x7a: {  	[tilespmem:s12+$0x8400] =	vst v2;
	v2 =	vld [tilespmem:s12+$0x450]  }
0x7b: {  	[tilespmem:s12+$0x8410] =	vst v3;
	v3 =	vld [tilespmem:s12+$0x460]  }
0x7c: {  	[tilespmem:s12+$0x8420] =	vst v4;
	v4 =	vld [tilespmem:s12+$0x470]  }
0x7d: {  	[tilespmem:s12+$0x8430] =	vst v0;
	v0 =	vld [tilespmem:s12+$0x480]  }
0x7e: {  	[tilespmem:s12+$0x8440] =	vst v1;
	v1 =	vld [tilespmem:s12+$0x490]  }
0x7f: {  	[tilespmem:s12+$0x8450] =	vst v2;
	v2 =	vld [tilespmem:s12+$0x4A0]  }
0x80: {  	[tilespmem:s12+$0x8460] =	vst v3;
	v3 =	vld [tilespmem:s12+$0x4B0]  }
0x81: {  	[tilespmem:s12+$0x8470] =	vst v4;
	v4 =	vld [tilespmem:s12+$0x4C0]  }
0x82: {  	[tilespmem:s12+$0x8480] =	vst v0;
	v0 =	vld [tilespmem:s12+$0x4D0]  }
0x83: {  	[tilespmem:s12+$0x8490] =	vst v1;
	v1 =	vld [tilespmem:s12+$0x4E0]  }
0x84: {  	[tilespmem:s12+$0x84A0] =	vst v2;
	v2 =	vld [tilespmem:s12+$0x4F0]  }
0x85: {  	[tilespmem:s12+$0x84B0] =	vst v3;
	v3 =	vld [tilespmem:s12+$0x500]  }
0x86: {  	[tilespmem:s12+$0x84C0] =	vst v4;
	v4 =	vld [tilespmem:s12+$0x510]  }
0x87: {  	[tilespmem:s12+$0x84D0] =	vst v0;
	v0 =	vld [tilespmem:s12+$0x520]  }
0x88: {  	[tilespmem:s12+$0x84E0] =	vst v1;
	v1 =	vld [tilespmem:s12+$0x530]  }
0x89: {  	[tilespmem:s12+$0x84F0] =	vst v2;
	v2 =	vld [tilespmem:s12+$0x540]  }
0x8a: {  	[tilespmem:s12+$0x8500] =	vst v3;
	v3 =	vld [tilespmem:s12+$0x550]  }
0x8b: {  	[tilespmem:s12+$0x8510] =	vst v4;
	v4 =	vld [tilespmem:s12+$0x560]  }
0x8c: {  	[tilespmem:s12+$0x8520] =	vst v0;
	v5 =	vld [tilespmem:s12+$0x570]  }
0x8d: {  	[tilespmem:s12+$0x8530] =	vst v1;
	v6 =	vld [tilespmem:s12+$0x580]  }
0x8e: {  	[tilespmem:s12+$0x8540] =	vst v2;
	v7 =	vld [tilespmem:s12+$0x590]  }
.Ltmp0:
0x8f: {  	[tilespmem:s12+$0x8550] =	vst v3;
	v0 =	vld [tilespmem:s12+$0x5A0];
	(pc) =	sbr.rel @p0 .LBB2_2-.Ltmp0, $4  }
0x90: {  	[tilespmem:s12+$0x8560] =	vst v4;
	v1 =	vld [tilespmem:s12+$0x5B0]  }
0x91: {  	[tilespmem:s12+$0x8570] =	vst v5;
	v2 =	vld [tilespmem:s12+$0x5C0]  }
0x92: {  	[tilespmem:s12+$0x8580] =	vst v6;
	v3 =	vld [tilespmem:s12+$0x5D0]  }
0x93: {  	s14 =	sshra.s32 s13, $0x2;
	s13 =	sadd.s32 $0x1000, s13;
	[tilespmem:s12+$0x8590] =	vst v7;
	v4 =	vld [tilespmem:s12+$0x5E0]  }
0x94: {  	v5 =	vld [tilespmem:s14+$0x5F0];
	[tilespmem:s12+$0x85A0] =	vst v0  }
0x95: {  	v0 =	vld [tilespmem:s14+$0x200];
	[tilespmem:s12+$0x85B0] =	vst v1  }
0x96: {  	v1 =	vld [tilespmem:s14+$0x210];
	[tilespmem:s12+$0x85C0] =	vst v2  }
0x97: {  	v2 =	vld [tilespmem:s14+$0x220];
	[tilespmem:s12+$0x85D0] =	vst v3  }
0x98: {  	v3 =	vld [tilespmem:s14+$0x230];
	[tilespmem:s12+$0x85E0] =	vst v4  }
0x99: {  	v4 =	vld [tilespmem:s14+$0x240];
	[tilespmem:s14+$0x85F0] =	vst v5  }
0x9a: {  	v62 =	vld [tilespmem:s14+$0x250];
	[tilespmem:s14+$0x8200] =	vst v0  }
0x9b: {  	v63 =	vld [tilespmem:s14+$0x260];
	[tilespmem:s14+$0x8210] =	vst v1  }
0x9c: {  	v8 =	vld [tilespmem:s14+$0x270];
	[tilespmem:s14+$0x8220] =	vst v2  }
0x9d: {  	v9 =	vld [tilespmem:s14+$0x280];
	[tilespmem:s14+$0x8230] =	vst v3  }
0x9e: {  	v10 =	vld [tilespmem:s14+$0x290];
	[tilespmem:s14+$0x8240] =	vst v4  }
0x9f: {  	v11 =	vld [tilespmem:s14+$0x2A0];
	[tilespmem:s14+$0x8250] =	vst v62  }
0xa0: {  	v12 =	vld [tilespmem:s14+$0x2B0];
	[tilespmem:s14+$0x8260] =	vst v63  }
0xa1: {  	v13 =	vld [tilespmem:s14+$0x2C0];
	[tilespmem:s14+$0x8270] =	vst v8  }
0xa2: {  	v14 =	vld [tilespmem:s14+$0x2D0];
	[tilespmem:s14+$0x8280] =	vst v9  }
0xa3: {  	v15 =	vld [tilespmem:s14+$0x2E0];
	[tilespmem:s14+$0x8290] =	vst v10  }
0xa4: {  	v16 =	vld [tilespmem:s14+$0x2F0];
	[tilespmem:s14+$0x82A0] =	vst v11  }
0xa5: {  	v17 =	vld [tilespmem:s14+$0x300];
	[tilespmem:s14+$0x82B0] =	vst v12  }
0xa6: {  	v18 =	vld [tilespmem:s14+$0x310];
	[tilespmem:s14+$0x82C0] =	vst v13  }
0xa7: {  	v19 =	vld [tilespmem:s14+$0x320];
	[tilespmem:s14+$0x82D0] =	vst v14  }
0xa8: {  	v20 =	vld [tilespmem:s14+$0x330];
	[tilespmem:s14+$0x82E0] =	vst v15  }
0xa9: {  	v21 =	vld [tilespmem:s14+$0x340];
	[tilespmem:s14+$0x82F0] =	vst v16  }
0xaa: {  	v22 =	vld [tilespmem:s14+$0x350];
	[tilespmem:s14+$0x8300] =	vst v17  }
0xab: {  	v23 =	vld [tilespmem:s14+$0x360];
	[tilespmem:s14+$0x8310] =	vst v18  }
0xac: {  	v24 =	vld [tilespmem:s14+$0x370];
	[tilespmem:s14+$0x8320] =	vst v19  }
0xad: {  	v25 =	vld [tilespmem:s14+$0x380];
	[tilespmem:s14+$0x8330] =	vst v20  }
0xae: {  	v26 =	vld [tilespmem:s14+$0x390];
	[tilespmem:s14+$0x8340] =	vst v21  }
0xaf: {  	v27 =	vld [tilespmem:s14+$0x3A0];
	[tilespmem:s14+$0x8350] =	vst v22  }
0xb0: {  	v28 =	vld [tilespmem:s14+$0x3B0];
	[tilespmem:s14+$0x8360] =	vst v23  }
0xb1: {  	v29 =	vld [tilespmem:s14+$0x3C0];
	[tilespmem:s14+$0x8370] =	vst v24  }
0xb2: {  	v30 =	vld [tilespmem:s14+$0x3D0];
	[tilespmem:s14+$0x8380] =	vst v25  }
0xb3: {  	v31 =	vld [tilespmem:s14+$0x3E0];
	[tilespmem:s14+$0x8390] =	vst v26  }
0xb4: {  	v32 =	vld [tilespmem:s14+$0x3F0];
	[tilespmem:s14+$0x83A0] =	vst v27  }
0xb5: {  	v33 =	vld [tilespmem:s14+$0x400];
	[tilespmem:s14+$0x83B0] =	vst v28  }
0xb6: {  	v34 =	vld [tilespmem:s14+$0x410];
	[tilespmem:s14+$0x83C0] =	vst v29  }
0xb7: {  	v35 =	vld [tilespmem:s14+$0x420];
	[tilespmem:s14+$0x83D0] =	vst v30  }
0xb8: {  	v36 =	vld [tilespmem:s14+$0x430];
	[tilespmem:s14+$0x83E0] =	vst v31  }
0xb9: {  	v37 =	vld [tilespmem:s14+$0x440];
	[tilespmem:s14+$0x83F0] =	vst v32  }
0xba: {  	v38 =	vld [tilespmem:s14+$0x450];
	[tilespmem:s14+$0x8400] =	vst v33  }
0xbb: {  	v39 =	vld [tilespmem:s14+$0x460];
	[tilespmem:s14+$0x8410] =	vst v34  }
0xbc: {  	v40 =	vld [tilespmem:s14+$0x470];
	[tilespmem:s14+$0x8420] =	vst v35  }
0xbd: {  	v41 =	vld [tilespmem:s14+$0x480];
	[tilespmem:s14+$0x8430] =	vst v36  }
0xbe: {  	v42 =	vld [tilespmem:s14+$0x490];
	[tilespmem:s14+$0x8440] =	vst v37  }
0xbf: {  	v43 =	vld [tilespmem:s14+$0x4A0];
	[tilespmem:s14+$0x8450] =	vst v38  }
0xc0: {  	v44 =	vld [tilespmem:s14+$0x4B0];
	[tilespmem:s14+$0x8460] =	vst v39  }
0xc1: {  	v45 =	vld [tilespmem:s14+$0x4C0];
	[tilespmem:s14+$0x8470] =	vst v40  }
0xc2: {  	v46 =	vld [tilespmem:s14+$0x4D0];
	[tilespmem:s14+$0x8480] =	vst v41  }
0xc3: {  	v47 =	vld [tilespmem:s14+$0x4E0];
	[tilespmem:s14+$0x8490] =	vst v42  }
0xc4: {  	v48 =	vld [tilespmem:s14+$0x4F0];
	[tilespmem:s14+$0x84A0] =	vst v43  }
0xc5: {  	v49 =	vld [tilespmem:s14+$0x500];
	[tilespmem:s14+$0x84B0] =	vst v44  }
0xc6: {  	v50 =	vld [tilespmem:s14+$0x510];
	[tilespmem:s14+$0x84C0] =	vst v45  }
0xc7: {  	v51 =	vld [tilespmem:s14+$0x520];
	[tilespmem:s14+$0x84D0] =	vst v46  }
0xc8: {  	v52 =	vld [tilespmem:s14+$0x530];
	[tilespmem:s14+$0x84E0] =	vst v47  }
0xc9: {  	v53 =	vld [tilespmem:s14+$0x540];
	[tilespmem:s14+$0x84F0] =	vst v48  }
0xca: {  	v54 =	vld [tilespmem:s14+$0x550];
	[tilespmem:s14+$0x8500] =	vst v49  }
0xcb: {  	v55 =	vld [tilespmem:s14+$0x560];
	[tilespmem:s14+$0x8510] =	vst v50  }
0xcc: {  	v56 =	vld [tilespmem:s14+$0x570];
	[tilespmem:s14+$0x8520] =	vst v51  }
0xcd: {  	v57 =	vld [tilespmem:s14+$0x580];
	[tilespmem:s14+$0x8530] =	vst v52  }
0xce: {  	v58 =	vld [tilespmem:s14+$0x590];
	[tilespmem:s14+$0x8540] =	vst v53  }
0xcf: {  	v59 =	vld [tilespmem:s14+$0x5A0];
	[tilespmem:s14+$0x8550] =	vst v54  }
0xd0: {  	v60 =	vld [tilespmem:s14+$0x5B0];
	[tilespmem:s14+$0x8560] =	vst v55  }
0xd1: {  	v61 =	vld [tilespmem:s14+$0x5C0];
	[tilespmem:s14+$0x8570] =	vst v56  }
0xd2: {  	[tilespmem:s14+$0x8580] =	vst v57;
	v62 =	vld [tilespmem:s14+$0x5D0]  }
0xd3: {  	[tilespmem:s14+$0x8590] =	vst v58;
	v63 =	vld [tilespmem:s14+$0x5E0]  }
0xd4: {  	[tilespmem:s14+$0x85A0] =	vst v59  }
0xd5: {  	[tilespmem:s14+$0x85B0] =	vst v60  }
0xd6: {  	s11 =	sadd.s32 $0x1, s11;
	[tilespmem:s14+$0x85C0] =	vst v61  }
0xd7: {  	p0 =	sne.s32 s11, s6;
	[tilespmem:s14+$0x85D0] =	vst v62  }
.Ltmp1:
0xd8: {  	[tilespmem:s14+$0x85E0] =	vst v63;
	(pc) =	sbr.rel @p0 .LBB2_1-.Ltmp1, $4  }
0xd9: {  	[hbm4b:s5+s2] =	stream.linear.scatter [tilespmem:s10], [sflag:$0x2], $0x8000, $0x38;
	[tilespmem:$0x10200] =	vst v63  }
0xda: {  	_ =	swait.ge [sflag:s7], $0x8000  }
0xdb: {  	[sflag:s7] =	ssyncset.done $0x0  }
0xdc: {  	[sflag:s7] =	ssyncadd.s32 $0xFFFF8000  }
0xdd: {  	_ =	sfence.sel $0x180000  }
0xde: {  	[bflag:$0x0] =	sbarrier.arrive $0xFFFF  }
0xdf: {  	p0 =	sne.s32 s1, $0x0;
	_ =	strace $0x90000047  }
0xe0: {  	s0 =	sadd.s32 @!p0 $0x100000, s0;
	[bflag:$0x2] =	sbarrier.arrive $0xFFFF  }
0xe1: {  	[sflag:s0] =	ssyncadd.tile.s32 @!p0 $0x1;
	_ =	shalt  }
.Lfunc_end2:
_tile_overlayer_lowered:
.L_overlay_start_2:
0xe2: {  	(tag) =	ssettag $0x2  }
0xe3: {  	s0 =	rddreg [dreg:$0x0];
	s2 =	stileid.u32  }
0xe4: {  	s1 =	rddreg [dreg:$0x1];
	p0 =	sne.s32 s2, $0x0  }
0xe5: {  	s3 =	rddreg [dreg:$0x2];
	[bflag:$0x3] =	sbarrier.arrive $0xFFFF;
	s2 =	simm.s32 @!p0 $0x1C02  }
0xe6: {  	[timem:s3], [sflag:s2] =	dma.local @!p0 [hbm:s0], s1  }
0xe7: {  	s0 =	simm.s32 @!p0 $0x2  }
0xe8: {  	_ =	swait.ge @!p0 [sflag:s0], s1  }
0xe9: {  	s1 =	ssub.s32 @!p0 $0x0, s1;
	[sflag:s0] =	ssyncset.done @!p0 $0x0  }
0xea: {  	[sflag:s0] =	ssyncadd.s32 @!p0 s1  }
0xeb: {  	[bflag:$0x3] =	sbarrier.arrive $0xFFFF  }
0xec: {  	_ =	shalt  }

</sc_bundles>
